<compile_context>
chip_gen: v7x
topology: tpu7x:2x2x1
jax: 0.10.2.dev20260603
libtpu: 0.0.44.dev20260713+nightly
codegen_flags: <defaults>
</compile_context>

<pallas_src>
import dataclasses
from functools import partial

import jax
import jax.numpy as jnp
from jax import lax
from jax.experimental import pallas as pl
from jax.experimental.pallas import tpu as pltpu
from jax.experimental.pallas import tpu_sc as plsc

_K = 16
_STRIDE = 8
_ROWS = 256


def _knn_body(n_extract, want_di, s_dim, keys_ref, q0_ref, *refs):
    if want_di:
        dist_ref, idx_ref, outx_ref, qcur_ref = refs
    else:
        outx_ref, qcur_ref = refs
    s = pl.program_id(s_dim)
    nkeys = keys_ref.shape[3]

    @pl.when(s == 0)
    def _():
        qcur_ref[...] = q0_ref[...].reshape(qcur_ref.shape)

    q = qcur_ref[...]
    qx, qy, qz = q[:, 0:1], q[:, 1:2], q[:, 2:3]
    kx = keys_ref[0, 0, 0:1, :]
    ky = keys_ref[0, 0, 1:2, :]
    kz = keys_ref[0, 0, 2:3, :]
    dx = qx - kx
    dy = qy - ky
    dz = qz - kz
    dd = (dx * dx + dy * dy) + dz * dz
    iota_f = lax.broadcasted_iota(jnp.int32, dd.shape, 1).astype(jnp.float32)
    big = jnp.float32(2.0 * nkeys)
    ms, mis = [], []
    for e in range(n_extract):
        m = jnp.min(dd, axis=1, keepdims=True)
        mi_f = jnp.min(jnp.where(dd == m, iota_f, big), axis=1,
                       keepdims=True)
        onehot = iota_f == mi_f
        if e == 0:
            ohf = onehot.astype(jnp.float32)
            nx = jnp.sum(ohf * kx, axis=1, keepdims=True)
            ny = jnp.sum(ohf * ky, axis=1, keepdims=True)
            nz = jnp.sum(ohf * kz, axis=1, keepdims=True)
            new_q = jnp.concatenate([nx, ny, nz], axis=1)
            qcur_ref[...] = new_q
            outx_ref[0, 0] = new_q
        if e < n_extract - 1:
            dd = jnp.where(onehot, jnp.float32(jnp.inf), dd)
        ms.append(m)
        mis.append(mi_f)
    if want_di:
        dist_ref[0, 0] = jnp.concatenate(ms, axis=1)
        idx_ref[0, 0] = jnp.concatenate(mis, axis=1).astype(jnp.int32)


def _knn_call(keys, q0, n_extract, want_di, flip_t=False, interpret=False):
    c, t, _, n = keys.shape
    r = q0.shape[1]
    grid = (c, r // _ROWS, t)
    if flip_t:
        omap = lambda ci, ri, si: (ci, t - 1 - si, ri, 0)
    else:
        omap = lambda ci, ri, si: (ci, si, ri, 0)
    out_shapes = []
    out_specs = []
    if want_di:
        out_shapes += [jax.ShapeDtypeStruct((c, t, r, _K), jnp.float32),
                       jax.ShapeDtypeStruct((c, t, r, _K), jnp.int32)]
        out_specs += [pl.BlockSpec((1, 1, _ROWS, _K), omap)] * 2
    out_shapes.append(jax.ShapeDtypeStruct((c, t, r, 3), jnp.float32))
    out_specs.append(pl.BlockSpec((1, 1, _ROWS, 3), omap))
    return pl.pallas_call(
        partial(_knn_body, n_extract, want_di, 2),
        grid=grid,
        in_specs=[
            pl.BlockSpec((1, 1, 3, n), lambda ci, ri, si: (ci, si, 0, 0)),
            pl.BlockSpec((1, _ROWS, 3), lambda ci, ri, si: (ci, ri, 0)),
        ],
        out_specs=out_specs,
        out_shape=out_shapes,
        scratch_shapes=[pltpu.VMEM((_ROWS, 3), jnp.float32)],
        interpret=interpret,
    )(keys, q0)


def _sc_gather(tab, idx):
    g_tot, m = idx.shape
    nw = 32
    gpw = g_tot // nw
    mesh = plsc.VectorSubcoreMesh(core_axis_name="c", subcore_axis_name="s")
    cp = pltpu.CompilerParams()
    if "needs_layout_passes" in pltpu.CompilerParams.__dataclass_fields__:
        cp = dataclasses.replace(cp, needs_layout_passes=False)

    @partial(pl.kernel,
             out_type=[jax.ShapeDtypeStruct((g_tot, 3 * m), jnp.float32),
                       jax.ShapeDtypeStruct((g_tot, 3 * m), jnp.float32)],
             mesh=mesh,
             scratch_types=[pltpu.VMEM((tab.shape[1],), jnp.float32),
                            pltpu.VMEM((m,), jnp.int32),
                            pltpu.VMEM((3 * m,), jnp.float32),
                            pltpu.VMEM((3 * m,), jnp.float32)],
             compiler_params=cp)
    def k(tab_hbm, idx_hbm, pp_hbm, pf_hbm, tab_v, idx_v, pp_v, pf_v):
        wid = lax.axis_index("s") * 2 + lax.axis_index("c")
        lane = lax.iota(jnp.int32, 16)

        @pl.loop(0, gpw)
        def _(gi):
            g = wid * gpw + gi
            pltpu.sync_copy(tab_hbm.at[g], tab_v)
            pltpu.sync_copy(idx_hbm.at[g], idx_v)

            @pl.loop(0, m // 16)
            def _(i):
                iv = idx_v[pl.ds(i * 16, 16)] * 8
                pos = lane * 3 + i * 48
                for c in range(3):
                    plsc.store_scatter(pp_v, [pos + c],
                                       plsc.load_gather(tab_v, [iv + c]))
                    plsc.store_scatter(pf_v, [pos + c],
                                       plsc.load_gather(tab_v, [iv + (c + 3)]))

            pltpu.sync_copy(pp_v, pp_hbm.at[g])
            pltpu.sync_copy(pf_v, pf_hbm.at[g])

    return k(tab, idx)


def kernel(point_seq):
    b, t, n, d = point_seq.shape
    nseg = t // _STRIDE
    nc = nseg * b
    half = n // 2
    perm = jax.random.permutation(jax.random.key(42), n)
    perm_a, perm_b = perm[:half], perm[half:]
    inv_perm = jnp.argsort(perm)

    ps_t = point_seq.transpose(0, 1, 3, 2)
    psr_t = ps_t.reshape(b, nseg, _STRIDE, 3, n)
    keys_f = psr_t.reshape(nc, _STRIDE, 3, n)
    keys_r = psr_t[:, :, ::-1].reshape(nc, _STRIDE, 3, n)

    psr = point_seq.reshape(b, nseg, _STRIDE, n, d)
    first = psr[:, :, 0]
    last = psr[:, :, -1]
    q0_fa = first[:, :, perm_a].reshape(nc, half, 3)
    q0_fb = first[:, :, perm_b].reshape(nc, half, 3)
    q0_bw = last[:, :, perm_a].reshape(nc, half, 3)

    dist_a, idx_a, ox_a = _knn_call(keys_f, q0_fa, _K, True)
    (ox_b,) = _knn_call(keys_f, q0_fb, 1, False)
    dist_w, idx_w, _ = _knn_call(keys_r, q0_bw, _K, True, flip_t=True)

    def _seq(x):
        return x.reshape((b, nseg) + x.shape[1:]).reshape((b, t) + x.shape[2:])

    distances = jnp.concatenate([_seq(dist_a), _seq(dist_w)], axis=2)
    idxs = jnp.concatenate([_seq(idx_a), _seq(idx_w)], axis=2)
    ox = jnp.concatenate([_seq(ox_a), _seq(ox_b)], axis=2)
    out_x = jnp.take(ox, inv_perm, axis=2)

    src0 = jnp.concatenate([psr[:, :, :1], psr[:, :, :-1]], axis=2)
    src1 = jnp.concatenate([psr[:, :, 1:], psr[:, :, -1:]], axis=2)
    src0 = src0.reshape(b, t, n, d)
    src1 = src1.reshape(b, t, n, d)
    pad = ((0, 0),) * 3 + ((0, 8 - 2 * d),)
    tab0 = jnp.pad(jnp.concatenate([point_seq, src0], -1), pad)
    tab1 = jnp.pad(jnp.concatenate([point_seq, src1], -1), pad)
    m = half * _K
    pp0, pf0 = _sc_gather(tab0.reshape(b * t, n * 8),
                          _seq(idx_a).reshape(b * t, m))
    pp1, pf1 = _sc_gather(tab1.reshape(b * t, n * 8),
                          _seq(idx_w).reshape(b * t, m))

    def _halves(x0, x1):
        return jnp.concatenate([x0.reshape(b, t, half, _K, d),
                                x1.reshape(b, t, half, _K, d)], axis=2)

    patchlet_points = _halves(pp0, pp1)
    patchlet_feats = _halves(pf0, pf1)
    return patchlet_points, patchlet_feats, distances, idxs, out_x

# --- scband reference (transcript-rebuilt; emitter-appended) ---
"""Pipeline reference for scband-patchlets-extractor-strided-7078106104297 (READ-ONLY COPY).

The authoritative reference and input builder live on the scoring server;
editing this copy changes nothing except your own understanding.
"""

import jax, jax.numpy as jnp
import numpy as np

K = 16
STRIDE = 8


def index_points(points, idx):
    # points: [b, m, c], idx: [b, ...] int -> [b, ..., c]
    return jax.vmap(lambda p, i: p[i])(points, idx)


def knn(q, kpts, k):
    # q: [b, n, 3] queries, kpts: [b, m, 3] keys
    d2 = jnp.sum((q[:, :, None, :] - kpts[:, None, :, :]) ** 2, axis=-1)  # [b, n, m]
    neg, idx = jax.lax.top_k(-d2, k)
    return -neg, idx


def get_tpatches(x1, x2, k, flip=False):
    # x1, x2: [b, t, n, d]; feat_seq is None in this config -> feat_seq = x1
    b, t, n, d = x1.shape
    feat_seq = x1
    feat_seq_2 = jnp.concatenate([feat_seq[:, :1], feat_seq], axis=1)[:, :-1]
    x_current = x2[:, 0]
    pts_list, feats_list, dist_list, idx_list, outx_list = [], [], [], [], []
    for i in range(t):
        x_next = x1[:, i]
        distances, idxs = knn(x_current[..., 0:3], x_next[..., 0:3], k)
        # sample_mode == 'nn'
        x_current = index_points(x_next, idxs)[:, :, 0, :]
        outx_list.append(x_current)
        pts_list.append(index_points(x_next, idxs))
        feats_list.append(index_points(feat_seq_2[:, i], idxs))
        dist_list.append(distances)
        idx_list.append(idxs)
    patchlet_points = jnp.stack(pts_list, axis=1)   # [b, t, n, k, d]
    patchlet_feats = jnp.stack(feats_list, axis=1)  # [b, t, n, k, d]
    distances = jnp.stack(dist_list, axis=1)        # [b, t, n, k]
    idxs = jnp.stack(idx_list, axis=1)              # [b, t, n, k]
    out_x = jnp.stack(outx_list, axis=1)            # [b, t, n, d]
    if flip:
        patchlet_points = jnp.flip(patchlet_points, 1)
        patchlet_feats = jnp.flip(patchlet_feats, 1)
        distances = jnp.flip(distances, 1)
        idxs = jnp.flip(idxs, 1)
    return patchlet_points, patchlet_feats, distances, idxs, out_x


def setup_inputs(seed: int = 0) -> dict:
    key = jax.random.key(seed)
    point_seq = jax.random.uniform(key, (8, 16, 1024, 3), dtype=jnp.float32)
    return {"point_seq": point_seq}


def reference(point_seq):
    b, t, n, d = point_seq.shape
    n_seg = t // STRIDE
    # torch.randperm(n)[:n//2] -> deterministic permutation here
    rand_idxs = jax.random.permutation(jax.random.key(42), n)[: n // 2]
    pp_acc, pf_acc, dd_acc, ii_acc, ox_acc = [], [], [], [], []
    for i in range(n_seg):
        x1 = point_seq[:, i * STRIDE:(i + 1) * STRIDE]
        x2 = jnp.concatenate([x1[:, :1], x1], axis=1)[:, :-1]
        pp, pf, dd, ii, ox = get_tpatches(x1, x2, K, flip=False)
        x1f = jnp.flip(x1, 1)
        x2f = jnp.concatenate([x1f[:, :1], x1f], axis=1)[:, :-1]
        pp2, pf2, dd2, ii2, ox2 = get_tpatches(x1f, x2f, K, flip=True)
        pp_acc.append(jnp.concatenate([pp[:, :, rand_idxs], pp2[:, :, rand_idxs]], axis=2))
        pf_acc.append(jnp.concatenate([pf[:, :, rand_idxs], pf2[:, :, rand_idxs]], axis=2))
        dd_acc.append(jnp.concatenate([dd[:, :, rand_idxs], dd2[:, :, rand_idxs]], axis=2))
        ii_acc.append(jnp.concatenate([ii[:, :, rand_idxs], ii2[:, :, rand_idxs]], axis=2))
        ox_acc.append(ox)
    patchlet_points = jnp.concatenate(pp_acc, axis=1)  # [b, t, n, k, d]
    patchlet_feats = jnp.concatenate(pf_acc, axis=1)   # [b, t, n, k, d]
    distances = jnp.concatenate(dd_acc, axis=1)        # [b, t, n, k]
    idxs = jnp.concatenate(ii_acc, axis=1)             # [b, t, n, k]
    out_x = jnp.concatenate(ox_acc, axis=1)            # [b, t, n, d]
    return patchlet_points, patchlet_feats, distances, idxs, out_x

if __name__ == "__main__":
    import jax
    _d = setup_inputs()
    print(jax.jit(kernel)(*tuple(_d.values())))

</pallas_src>

<mosaic_0001>
#map = affine_map<(d0, d1) -> (0, 0)>
module attributes {stable_mosaic.version = 14 : i64} {
  func.func @k(%arg0: i32, %arg1: i32, %arg2: memref<128x8192xf32, #tpu.memory_space<hbm>>, %arg3: memref<128x8192xi32, #tpu.memory_space<hbm>>, %arg4: memref<128x24576xf32, #tpu.memory_space<hbm>>, %arg5: memref<128x24576xf32, #tpu.memory_space<hbm>>, %arg6: memref<8192xf32, #tpu.memory_space<vmem>>, %arg7: memref<8192xi32, #tpu.memory_space<vmem>>, %arg8: memref<24576xf32, #tpu.memory_space<vmem>>, %arg9: memref<24576xf32, #tpu.memory_space<vmem>>) attributes {dimension_semantics = [#tpu.dimension_semantics<core_parallel>, #tpu.dimension_semantics<subcore_parallel>], iteration_bounds = array<i64: 2, 16>, scalar_prefetch = 0 : i64, scratch_operands = 4 : i64, tpu.core_type = #tpu.core_type<sc_vector_subcore>, window_params = [{transform_indices = #map}, {transform_indices = #map}, {transform_indices = #map}, {transform_indices = #map}]} {
    %mul3A = arith.constant 2 : i32
    %mul3A_0 = arith.muli %arg1, %mul3A : i32
    %add3A = arith.addi %mul3A_0, %arg0 : i32
    %iota3A = tpu.iota {dimensions = array<i32: 0>} : vector<16xi32>
    %scan3A = arith.constant 0 : i32
    %scan3A_1 = arith.constant 4 : i32
    %scan3A_2 = arith.addi %scan3A, %scan3A_1 : i32
    %scan3A_3 = arith.constant 1 : i32
    scf.for %scan3A_5 = %scan3A to %scan3A_2 step %scan3A_3  : i32 {
      %mul3A_6 = arith.constant 1 : i32
      %mul3A_7 = arith.muli %scan3A_5, %mul3A_6 : i32
      %add3A_8 = arith.constant 0 : i32
      %add3A_9 = arith.addi %add3A_8, %mul3A_7 : i32
      %mul3A_10 = arith.constant 4 : i32
      %mul3A_11 = arith.muli %add3A, %mul3A_10 : i32
      %add3A_12 = arith.addi %mul3A_11, %add3A_9 : i32
      "tpu.region"() ({
        %run_scoped3A = tpu.sem_alloc : memref<!tpu.dma_semaphore, #tpu.memory_space<semaphore_mem>>
        %dma_start3A = arith.constant 0 : i32
        %dma_start3A_18 = tpu.memref_slice %arg2[%add3A_12, %dma_start3A] : memref<128x8192xf32, #tpu.memory_space<hbm>> -> memref<1x8192xf32, #tpu.memory_space<hbm>>
        %dma_start3A_19 = tpu.memref_squeeze %dma_start3A_18 : memref<1x8192xf32, #tpu.memory_space<hbm>> -> memref<8192xf32, #tpu.memory_space<hbm>>
        %dma_start3A_20 = arith.constant 0 : i32
        %dma_start3A_21 = tpu.memref_slice %arg2[%add3A_12, %dma_start3A_20] : memref<128x8192xf32, #tpu.memory_space<hbm>> -> memref<1x8192xf32, #tpu.memory_space<hbm>>
        %dma_start3A_22 = tpu.memref_squeeze %dma_start3A_21 : memref<1x8192xf32, #tpu.memory_space<hbm>> -> memref<8192xf32, #tpu.memory_space<hbm>>
        tpu.enqueue_dma source(%dma_start3A_22 : memref<8192xf32, #tpu.memory_space<hbm>>) target(%arg6 : memref<8192xf32, #tpu.memory_space<vmem>>) target_semaphore(%run_scoped3A : memref<!tpu.dma_semaphore, #tpu.memory_space<semaphore_mem>>)
        %dma_wait3A = arith.constant 0 : i32
        %dma_wait3A_23 = tpu.memref_slice %arg2[%add3A_12, %dma_wait3A] : memref<128x8192xf32, #tpu.memory_space<hbm>> -> memref<1x8192xf32, #tpu.memory_space<hbm>>
        %dma_wait3A_24 = tpu.memref_squeeze %dma_wait3A_23 : memref<1x8192xf32, #tpu.memory_space<hbm>> -> memref<8192xf32, #tpu.memory_space<hbm>>
        %dma_wait3A_25 = arith.constant 0 : i32
        %dma_wait3A_26 = tpu.memref_slice %arg2[%add3A_12, %dma_wait3A_25] : memref<128x8192xf32, #tpu.memory_space<hbm>> -> memref<1x8192xf32, #tpu.memory_space<hbm>>
        %dma_wait3A_27 = tpu.memref_squeeze %dma_wait3A_26 : memref<1x8192xf32, #tpu.memory_space<hbm>> -> memref<8192xf32, #tpu.memory_space<hbm>>
        tpu.wait_dma2 semaphore(%run_scoped3A : memref<!tpu.dma_semaphore, #tpu.memory_space<semaphore_mem>>) src(%dma_wait3A_27 : memref<8192xf32, #tpu.memory_space<hbm>>) dst(%arg6 : memref<8192xf32, #tpu.memory_space<vmem>>)
        tpu.yield
      }) : () -> ()
      "tpu.region"() ({
        %run_scoped3A = tpu.sem_alloc : memref<!tpu.dma_semaphore, #tpu.memory_space<semaphore_mem>>
        %dma_start3A = arith.constant 0 : i32
        %dma_start3A_18 = tpu.memref_slice %arg3[%add3A_12, %dma_start3A] : memref<128x8192xi32, #tpu.memory_space<hbm>> -> memref<1x8192xi32, #tpu.memory_space<hbm>>
        %dma_start3A_19 = tpu.memref_squeeze %dma_start3A_18 : memref<1x8192xi32, #tpu.memory_space<hbm>> -> memref<8192xi32, #tpu.memory_space<hbm>>
        %dma_start3A_20 = arith.constant 0 : i32
        %dma_start3A_21 = tpu.memref_slice %arg3[%add3A_12, %dma_start3A_20] : memref<128x8192xi32, #tpu.memory_space<hbm>> -> memref<1x8192xi32, #tpu.memory_space<hbm>>
        %dma_start3A_22 = tpu.memref_squeeze %dma_start3A_21 : memref<1x8192xi32, #tpu.memory_space<hbm>> -> memref<8192xi32, #tpu.memory_space<hbm>>
        tpu.enqueue_dma source(%dma_start3A_22 : memref<8192xi32, #tpu.memory_space<hbm>>) target(%arg7 : memref<8192xi32, #tpu.memory_space<vmem>>) target_semaphore(%run_scoped3A : memref<!tpu.dma_semaphore, #tpu.memory_space<semaphore_mem>>)
        %dma_wait3A = arith.constant 0 : i32
        %dma_wait3A_23 = tpu.memref_slice %arg3[%add3A_12, %dma_wait3A] : memref<128x8192xi32, #tpu.memory_space<hbm>> -> memref<1x8192xi32, #tpu.memory_space<hbm>>
        %dma_wait3A_24 = tpu.memref_squeeze %dma_wait3A_23 : memref<1x8192xi32, #tpu.memory_space<hbm>> -> memref<8192xi32, #tpu.memory_space<hbm>>
        %dma_wait3A_25 = arith.constant 0 : i32
        %dma_wait3A_26 = tpu.memref_slice %arg3[%add3A_12, %dma_wait3A_25] : memref<128x8192xi32, #tpu.memory_space<hbm>> -> memref<1x8192xi32, #tpu.memory_space<hbm>>
        %dma_wait3A_27 = tpu.memref_squeeze %dma_wait3A_26 : memref<1x8192xi32, #tpu.memory_space<hbm>> -> memref<8192xi32, #tpu.memory_space<hbm>>
        tpu.wait_dma2 semaphore(%run_scoped3A : memref<!tpu.dma_semaphore, #tpu.memory_space<semaphore_mem>>) src(%dma_wait3A_27 : memref<8192xi32, #tpu.memory_space<hbm>>) dst(%arg7 : memref<8192xi32, #tpu.memory_space<vmem>>)
        tpu.yield
      }) : () -> ()
      %scan3A_13 = arith.constant 0 : i32
      %scan3A_14 = arith.constant 512 : i32
      %scan3A_15 = arith.addi %scan3A_13, %scan3A_14 : i32
      %scan3A_16 = arith.constant 1 : i32
      scf.for %scan3A_18 = %scan3A_13 to %scan3A_15 step %scan3A_16  : i32 {
        %mul3A_19 = arith.constant 1 : i32
        %mul3A_20 = arith.muli %scan3A_18, %mul3A_19 : i32
        %add3A_21 = arith.constant 0 : i32
        %add3A_22 = arith.addi %add3A_21, %mul3A_20 : i32
        %mul3A_23 = arith.constant 16 : i32
        %mul3A_24 = arith.muli %add3A_22, %mul3A_23 : i32
        %get3A = arith.index_cast %mul3A_24 : i32 to index
        %get3A_25 = tpu.vector_load %arg7[%get3A] {strides = array<i32>} : memref<8192xi32, #tpu.memory_space<vmem>>, vector<16xi32>,
        %mul3A_26 = arith.constant 8 : i32
        %mul3A_27 = vector.broadcast %mul3A_26 : i32 to vector<16xi32>
        %mul3A_28 = arith.muli %get3A_25, %mul3A_27 : vector<16xi32>
        %mul3A_29 = arith.constant 3 : i32
        %mul3A_30 = vector.broadcast %mul3A_29 : i32 to vector<16xi32>
        %mul3A_31 = arith.muli %iota3A, %mul3A_30 : vector<16xi32>
        %mul3A_32 = arith.constant 48 : i32
        %mul3A_33 = arith.muli %add3A_22, %mul3A_32 : i32
        %add3A_34 = vector.broadcast %mul3A_33 : i32 to vector<16xi32>
        %add3A_35 = arith.addi %mul3A_31, %add3A_34 : vector<16xi32>
        %add3A_36 = arith.constant 0 : i32
        %add3A_37 = vector.broadcast %add3A_36 : i32 to vector<16xi32>
        %add3A_38 = arith.addi %add3A_35, %add3A_37 : vector<16xi32>
        %add3A_39 = arith.constant 0 : i32
        %add3A_40 = vector.broadcast %add3A_39 : i32 to vector<16xi32>
        %add3A_41 = arith.addi %mul3A_28, %add3A_40 : vector<16xi32>
        %gather3A = tpu.vector_load_idx %arg6[%add3A_41] : memref<8192xf32, #tpu.memory_space<vmem>>[vector<16xi32>], vector<16xf32>,
        tpu.vector_store_idx %arg8[%add3A_38], %gather3A : memref<24576xf32, #tpu.memory_space<vmem>>[vector<16xi32>], vector<16xf32>,
        %add3A_42 = arith.constant 0 : i32
        %add3A_43 = vector.broadcast %add3A_42 : i32 to vector<16xi32>
        %add3A_44 = arith.addi %add3A_35, %add3A_43 : vector<16xi32>
        %add3A_45 = arith.constant 3 : i32
        %add3A_46 = vector.broadcast %add3A_45 : i32 to vector<16xi32>
        %add3A_47 = arith.addi %mul3A_28, %add3A_46 : vector<16xi32>
        %gather3A_48 = tpu.vector_load_idx %arg6[%add3A_47] : memref<8192xf32, #tpu.memory_space<vmem>>[vector<16xi32>], vector<16xf32>,
        tpu.vector_store_idx %arg9[%add3A_44], %gather3A_48 : memref<24576xf32, #tpu.memory_space<vmem>>[vector<16xi32>], vector<16xf32>,
        %add3A_49 = arith.constant 1 : i32
        %add3A_50 = vector.broadcast %add3A_49 : i32 to vector<16xi32>
        %add3A_51 = arith.addi %add3A_35, %add3A_50 : vector<16xi32>
        %add3A_52 = arith.constant 1 : i32
        %add3A_53 = vector.broadcast %add3A_52 : i32 to vector<16xi32>
        %add3A_54 = arith.addi %mul3A_28, %add3A_53 : vector<16xi32>
        %gather3A_55 = tpu.vector_load_idx %arg6[%add3A_54] : memref<8192xf32, #tpu.memory_space<vmem>>[vector<16xi32>], vector<16xf32>,
        tpu.vector_store_idx %arg8[%add3A_51], %gather3A_55 : memref<24576xf32, #tpu.memory_space<vmem>>[vector<16xi32>], vector<16xf32>,
        %add3A_56 = arith.constant 1 : i32
        %add3A_57 = vector.broadcast %add3A_56 : i32 to vector<16xi32>
        %add3A_58 = arith.addi %add3A_35, %add3A_57 : vector<16xi32>
        %add3A_59 = arith.constant 4 : i32
        %add3A_60 = vector.broadcast %add3A_59 : i32 to vector<16xi32>
        %add3A_61 = arith.addi %mul3A_28, %add3A_60 : vector<16xi32>
        %gather3A_62 = tpu.vector_load_idx %arg6[%add3A_61] : memref<8192xf32, #tpu.memory_space<vmem>>[vector<16xi32>], vector<16xf32>,
        tpu.vector_store_idx %arg9[%add3A_58], %gather3A_62 : memref<24576xf32, #tpu.memory_space<vmem>>[vector<16xi32>], vector<16xf32>,
        %add3A_63 = arith.constant 2 : i32
        %add3A_64 = vector.broadcast %add3A_63 : i32 to vector<16xi32>
        %add3A_65 = arith.addi %add3A_35, %add3A_64 : vector<16xi32>
        %add3A_66 = arith.constant 2 : i32
        %add3A_67 = vector.broadcast %add3A_66 : i32 to vector<16xi32>
        %add3A_68 = arith.addi %mul3A_28, %add3A_67 : vector<16xi32>
        %gather3A_69 = tpu.vector_load_idx %arg6[%add3A_68] : memref<8192xf32, #tpu.memory_space<vmem>>[vector<16xi32>], vector<16xf32>,
        tpu.vector_store_idx %arg8[%add3A_65], %gather3A_69 : memref<24576xf32, #tpu.memory_space<vmem>>[vector<16xi32>], vector<16xf32>,
        %add3A_70 = arith.constant 2 : i32
        %add3A_71 = vector.broadcast %add3A_70 : i32 to vector<16xi32>
        %add3A_72 = arith.addi %add3A_35, %add3A_71 : vector<16xi32>
        %add3A_73 = arith.constant 5 : i32
        %add3A_74 = vector.broadcast %add3A_73 : i32 to vector<16xi32>
        %add3A_75 = arith.addi %mul3A_28, %add3A_74 : vector<16xi32>
        %gather3A_76 = tpu.vector_load_idx %arg6[%add3A_75] : memref<8192xf32, #tpu.memory_space<vmem>>[vector<16xi32>], vector<16xf32>,
        tpu.vector_store_idx %arg9[%add3A_72], %gather3A_76 : memref<24576xf32, #tpu.memory_space<vmem>>[vector<16xi32>], vector<16xf32>,
      }
      %scan3A_17 = arith.constant 512 : i32
      "tpu.region"() ({
        %run_scoped3A = tpu.sem_alloc : memref<!tpu.dma_semaphore, #tpu.memory_space<semaphore_mem>>
        %dma_start3A = arith.constant 0 : i32
        %dma_start3A_18 = tpu.memref_slice %arg4[%add3A_12, %dma_start3A] : memref<128x24576xf32, #tpu.memory_space<hbm>> -> memref<1x24576xf32, #tpu.memory_space<hbm>>
        %dma_start3A_19 = tpu.memref_squeeze %dma_start3A_18 : memref<1x24576xf32, #tpu.memory_space<hbm>> -> memref<24576xf32, #tpu.memory_space<hbm>>
        %dma_start3A_20 = arith.constant 0 : i32
        %dma_start3A_21 = tpu.memref_slice %arg4[%add3A_12, %dma_start3A_20] : memref<128x24576xf32, #tpu.memory_space<hbm>> -> memref<1x24576xf32, #tpu.memory_space<hbm>>
        %dma_start3A_22 = tpu.memref_squeeze %dma_start3A_21 : memref<1x24576xf32, #tpu.memory_space<hbm>> -> memref<24576xf32, #tpu.memory_space<hbm>>
        tpu.enqueue_dma source(%arg8 : memref<24576xf32, #tpu.memory_space<vmem>>) target(%dma_start3A_22 : memref<24576xf32, #tpu.memory_space<hbm>>) target_semaphore(%run_scoped3A : memref<!tpu.dma_semaphore, #tpu.memory_space<semaphore_mem>>)
        %dma_wait3A = arith.constant 0 : i32
        %dma_wait3A_23 = tpu.memref_slice %arg4[%add3A_12, %dma_wait3A] : memref<128x24576xf32, #tpu.memory_space<hbm>> -> memref<1x24576xf32, #tpu.memory_space<hbm>>
        %dma_wait3A_24 = tpu.memref_squeeze %dma_wait3A_23 : memref<1x24576xf32, #tpu.memory_space<hbm>> -> memref<24576xf32, #tpu.memory_space<hbm>>
        %dma_wait3A_25 = arith.constant 0 : i32
        %dma_wait3A_26 = tpu.memref_slice %arg4[%add3A_12, %dma_wait3A_25] : memref<128x24576xf32, #tpu.memory_space<hbm>> -> memref<1x24576xf32, #tpu.memory_space<hbm>>
        %dma_wait3A_27 = tpu.memref_squeeze %dma_wait3A_26 : memref<1x24576xf32, #tpu.memory_space<hbm>> -> memref<24576xf32, #tpu.memory_space<hbm>>
        tpu.wait_dma2 semaphore(%run_scoped3A : memref<!tpu.dma_semaphore, #tpu.memory_space<semaphore_mem>>) src(%arg8 : memref<24576xf32, #tpu.memory_space<vmem>>) dst(%dma_wait3A_27 : memref<24576xf32, #tpu.memory_space<hbm>>)
        tpu.yield
      }) : () -> ()
      "tpu.region"() ({
        %run_scoped3A = tpu.sem_alloc : memref<!tpu.dma_semaphore, #tpu.memory_space<semaphore_mem>>
        %dma_start3A = arith.constant 0 : i32
        %dma_start3A_18 = tpu.memref_slice %arg5[%add3A_12, %dma_start3A] : memref<128x24576xf32, #tpu.memory_space<hbm>> -> memref<1x24576xf32, #tpu.memory_space<hbm>>
        %dma_start3A_19 = tpu.memref_squeeze %dma_start3A_18 : memref<1x24576xf32, #tpu.memory_space<hbm>> -> memref<24576xf32, #tpu.memory_space<hbm>>
        %dma_start3A_20 = arith.constant 0 : i32
        %dma_start3A_21 = tpu.memref_slice %arg5[%add3A_12, %dma_start3A_20] : memref<128x24576xf32, #tpu.memory_space<hbm>> -> memref<1x24576xf32, #tpu.memory_space<hbm>>
        %dma_start3A_22 = tpu.memref_squeeze %dma_start3A_21 : memref<1x24576xf32, #tpu.memory_space<hbm>> -> memref<24576xf32, #tpu.memory_space<hbm>>
        tpu.enqueue_dma source(%arg9 : memref<24576xf32, #tpu.memory_space<vmem>>) target(%dma_start3A_22 : memref<24576xf32, #tpu.memory_space<hbm>>) target_semaphore(%run_scoped3A : memref<!tpu.dma_semaphore, #tpu.memory_space<semaphore_mem>>)
        %dma_wait3A = arith.constant 0 : i32
        %dma_wait3A_23 = tpu.memref_slice %arg5[%add3A_12, %dma_wait3A] : memref<128x24576xf32, #tpu.memory_space<hbm>> -> memref<1x24576xf32, #tpu.memory_space<hbm>>
        %dma_wait3A_24 = tpu.memref_squeeze %dma_wait3A_23 : memref<1x24576xf32, #tpu.memory_space<hbm>> -> memref<24576xf32, #tpu.memory_space<hbm>>
        %dma_wait3A_25 = arith.constant 0 : i32
        %dma_wait3A_26 = tpu.memref_slice %arg5[%add3A_12, %dma_wait3A_25] : memref<128x24576xf32, #tpu.memory_space<hbm>> -> memref<1x24576xf32, #tpu.memory_space<hbm>>
        %dma_wait3A_27 = tpu.memref_squeeze %dma_wait3A_26 : memref<1x24576xf32, #tpu.memory_space<hbm>> -> memref<24576xf32, #tpu.memory_space<hbm>>
        tpu.wait_dma2 semaphore(%run_scoped3A : memref<!tpu.dma_semaphore, #tpu.memory_space<semaphore_mem>>) src(%arg9 : memref<24576xf32, #tpu.memory_space<vmem>>) dst(%dma_wait3A_27 : memref<24576xf32, #tpu.memory_space<hbm>>)
        tpu.yield
      }) : () -> ()
    }
    %scan3A_4 = arith.constant 4 : i32
    return
  }
}

#map = affine_map<(d0, d1) -> (0, 0)>
module attributes {stable_mosaic.version = 14 : i64} {
  func.func @k(%arg0: i32, %arg1: i32, %arg2: memref<128x8192xf32, #tpu.memory_space<hbm>>, %arg3: memref<128x8192xi32, #tpu.memory_space<hbm>>, %arg4: memref<128x24576xf32, #tpu.memory_space<hbm>>, %arg5: memref<128x24576xf32, #tpu.memory_space<hbm>>, %arg6: memref<8192xf32, #tpu.memory_space<vmem>>, %arg7: memref<8192xi32, #tpu.memory_space<vmem>>, %arg8: memref<24576xf32, #tpu.memory_space<vmem>>, %arg9: memref<24576xf32, #tpu.memory_space<vmem>>) attributes {dimension_semantics = [#tpu.dimension_semantics<core_parallel>, #tpu.dimension_semantics<subcore_parallel>], iteration_bounds = array<i64: 2, 16>, scalar_prefetch = 0 : i64, scratch_operands = 4 : i64, tpu.core_type = #tpu.core_type<sc_vector_subcore>, window_params = [{transform_indices = #map}, {transform_indices = #map}, {transform_indices = #map}, {transform_indices = #map}]} {
    %mul3A = arith.constant 2 : i32
    %mul3A_0 = arith.muli %arg1, %mul3A : i32
    %add3A = arith.addi %mul3A_0, %arg0 : i32
    %iota3A = tpu.iota {dimensions = array<i32: 0>} : vector<16xi32>
    %scan3A = arith.constant 0 : i32
    %scan3A_1 = arith.constant 4 : i32
    %scan3A_2 = arith.addi %scan3A, %scan3A_1 : i32
    %scan3A_3 = arith.constant 1 : i32
    scf.for %scan3A_5 = %scan3A to %scan3A_2 step %scan3A_3  : i32 {
      %mul3A_6 = arith.constant 1 : i32
      %mul3A_7 = arith.muli %scan3A_5, %mul3A_6 : i32
      %add3A_8 = arith.constant 0 : i32
      %add3A_9 = arith.addi %add3A_8, %mul3A_7 : i32
      %mul3A_10 = arith.constant 4 : i32
      %mul3A_11 = arith.muli %add3A, %mul3A_10 : i32
      %add3A_12 = arith.addi %mul3A_11, %add3A_9 : i32
      "tpu.region"() ({
        %run_scoped3A = tpu.sem_alloc : memref<!tpu.dma_semaphore, #tpu.memory_space<semaphore_mem>>
        %dma_start3A = arith.constant 0 : i32
        %dma_start3A_18 = tpu.memref_slice %arg2[%add3A_12, %dma_start3A] : memref<128x8192xf32, #tpu.memory_space<hbm>> -> memref<1x8192xf32, #tpu.memory_space<hbm>>
        %dma_start3A_19 = tpu.memref_squeeze %dma_start3A_18 : memref<1x8192xf32, #tpu.memory_space<hbm>> -> memref<8192xf32, #tpu.memory_space<hbm>>
        %dma_start3A_20 = arith.constant 0 : i32
        %dma_start3A_21 = tpu.memref_slice %arg2[%add3A_12, %dma_start3A_20] : memref<128x8192xf32, #tpu.memory_space<hbm>> -> memref<1x8192xf32, #tpu.memory_space<hbm>>
        %dma_start3A_22 = tpu.memref_squeeze %dma_start3A_21 : memref<1x8192xf32, #tpu.memory_space<hbm>> -> memref<8192xf32, #tpu.memory_space<hbm>>
        tpu.enqueue_dma source(%dma_start3A_22 : memref<8192xf32, #tpu.memory_space<hbm>>) target(%arg6 : memref<8192xf32, #tpu.memory_space<vmem>>) target_semaphore(%run_scoped3A : memref<!tpu.dma_semaphore, #tpu.memory_space<semaphore_mem>>)
        %dma_wait3A = arith.constant 0 : i32
        %dma_wait3A_23 = tpu.memref_slice %arg2[%add3A_12, %dma_wait3A] : memref<128x8192xf32, #tpu.memory_space<hbm>> -> memref<1x8192xf32, #tpu.memory_space<hbm>>
        %dma_wait3A_24 = tpu.memref_squeeze %dma_wait3A_23 : memref<1x8192xf32, #tpu.memory_space<hbm>> -> memref<8192xf32, #tpu.memory_space<hbm>>
        %dma_wait3A_25 = arith.constant 0 : i32
        %dma_wait3A_26 = tpu.memref_slice %arg2[%add3A_12, %dma_wait3A_25] : memref<128x8192xf32, #tpu.memory_space<hbm>> -> memref<1x8192xf32, #tpu.memory_space<hbm>>
        %dma_wait3A_27 = tpu.memref_squeeze %dma_wait3A_26 : memref<1x8192xf32, #tpu.memory_space<hbm>> -> memref<8192xf32, #tpu.memory_space<hbm>>
        tpu.wait_dma2 semaphore(%run_scoped3A : memref<!tpu.dma_semaphore, #tpu.memory_space<semaphore_mem>>) src(%dma_wait3A_27 : memref<8192xf32, #tpu.memory_space<hbm>>) dst(%arg6 : memref<8192xf32, #tpu.memory_space<vmem>>)
        tpu.yield
      }) : () -> ()
      "tpu.region"() ({
        %run_scoped3A = tpu.sem_alloc : memref<!tpu.dma_semaphore, #tpu.memory_space<semaphore_mem>>
        %dma_start3A = arith.constant 0 : i32
        %dma_start3A_18 = tpu.memref_slice %arg3[%add3A_12, %dma_start3A] : memref<128x8192xi32, #tpu.memory_space<hbm>> -> memref<1x8192xi32, #tpu.memory_space<hbm>>
        %dma_start3A_19 = tpu.memref_squeeze %dma_start3A_18 : memref<1x8192xi32, #tpu.memory_space<hbm>> -> memref<8192xi32, #tpu.memory_space<hbm>>
        %dma_start3A_20 = arith.constant 0 : i32
        %dma_start3A_21 = tpu.memref_slice %arg3[%add3A_12, %dma_start3A_20] : memref<128x8192xi32, #tpu.memory_space<hbm>> -> memref<1x8192xi32, #tpu.memory_space<hbm>>
        %dma_start3A_22 = tpu.memref_squeeze %dma_start3A_21 : memref<1x8192xi32, #tpu.memory_space<hbm>> -> memref<8192xi32, #tpu.memory_space<hbm>>
        tpu.enqueue_dma source(%dma_start3A_22 : memref<8192xi32, #tpu.memory_space<hbm>>) target(%arg7 : memref<8192xi32, #tpu.memory_space<vmem>>) target_semaphore(%run_scoped3A : memref<!tpu.dma_semaphore, #tpu.memory_space<semaphore_mem>>)
        %dma_wait3A = arith.constant 0 : i32
        %dma_wait3A_23 = tpu.memref_slice %arg3[%add3A_12, %dma_wait3A] : memref<128x8192xi32, #tpu.memory_space<hbm>> -> memref<1x8192xi32, #tpu.memory_space<hbm>>
        %dma_wait3A_24 = tpu.memref_squeeze %dma_wait3A_23 : memref<1x8192xi32, #tpu.memory_space<hbm>> -> memref<8192xi32, #tpu.memory_space<hbm>>
        %dma_wait3A_25 = arith.constant 0 : i32
        %dma_wait3A_26 = tpu.memref_slice %arg3[%add3A_12, %dma_wait3A_25] : memref<128x8192xi32, #tpu.memory_space<hbm>> -> memref<1x8192xi32, #tpu.memory_space<hbm>>
        %dma_wait3A_27 = tpu.memref_squeeze %dma_wait3A_26 : memref<1x8192xi32, #tpu.memory_space<hbm>> -> memref<8192xi32, #tpu.memory_space<hbm>>
        tpu.wait_dma2 semaphore(%run_scoped3A : memref<!tpu.dma_semaphore, #tpu.memory_space<semaphore_mem>>) src(%dma_wait3A_27 : memref<8192xi32, #tpu.memory_space<hbm>>) dst(%arg7 : memref<8192xi32, #tpu.memory_space<vmem>>)
        tpu.yield
      }) : () -> ()
      %scan3A_13 = arith.constant 0 : i32
      %scan3A_14 = arith.constant 512 : i32
      %scan3A_15 = arith.addi %scan3A_13, %scan3A_14 : i32
      %scan3A_16 = arith.constant 1 : i32
      scf.for %scan3A_18 = %scan3A_13 to %scan3A_15 step %scan3A_16  : i32 {
        %mul3A_19 = arith.constant 1 : i32
        %mul3A_20 = arith.muli %scan3A_18, %mul3A_19 : i32
        %add3A_21 = arith.constant 0 : i32
        %add3A_22 = arith.addi %add3A_21, %mul3A_20 : i32
        %mul3A_23 = arith.constant 16 : i32
        %mul3A_24 = arith.muli %add3A_22, %mul3A_23 : i32
        %get3A = arith.index_cast %mul3A_24 : i32 to index
        %get3A_25 = tpu.vector_load %arg7[%get3A] {strides = array<i32>} : memref<8192xi32, #tpu.memory_space<vmem>>, vector<16xi32>,
        %mul3A_26 = arith.constant 8 : i32
        %mul3A_27 = vector.broadcast %mul3A_26 : i32 to vector<16xi32>
        %mul3A_28 = arith.muli %get3A_25, %mul3A_27 : vector<16xi32>
        %mul3A_29 = arith.constant 3 : i32
        %mul3A_30 = vector.broadcast %mul3A_29 : i32 to vector<16xi32>
        %mul3A_31 = arith.muli %iota3A, %mul3A_30 : vector<16xi32>
        %mul3A_32 = arith.constant 48 : i32
        %mul3A_33 = arith.muli %add3A_22, %mul3A_32 : i32
        %add3A_34 = vector.broadcast %mul3A_33 : i32 to vector<16xi32>
        %add3A_35 = arith.addi %mul3A_31, %add3A_34 : vector<16xi32>
        %add3A_36 = arith.constant 0 : i32
        %add3A_37 = vector.broadcast %add3A_36 : i32 to vector<16xi32>
        %add3A_38 = arith.addi %add3A_35, %add3A_37 : vector<16xi32>
        %add3A_39 = arith.constant 0 : i32
        %add3A_40 = vector.broadcast %add3A_39 : i32 to vector<16xi32>
        %add3A_41 = arith.addi %mul3A_28, %add3A_40 : vector<16xi32>
        %gather3A = tpu.vector_load_idx %arg6[%add3A_41] : memref<8192xf32, #tpu.memory_space<vmem>>[vector<16xi32>], vector<16xf32>,
        tpu.vector_store_idx %arg8[%add3A_38], %gather3A : memref<24576xf32, #tpu.memory_space<vmem>>[vector<16xi32>], vector<16xf32>,
        %add3A_42 = arith.constant 0 : i32
        %add3A_43 = vector.broadcast %add3A_42 : i32 to vector<16xi32>
        %add3A_44 = arith.addi %add3A_35, %add3A_43 : vector<16xi32>
        %add3A_45 = arith.constant 3 : i32
        %add3A_46 = vector.broadcast %add3A_45 : i32 to vector<16xi32>
        %add3A_47 = arith.addi %mul3A_28, %add3A_46 : vector<16xi32>
        %gather3A_48 = tpu.vector_load_idx %arg6[%add3A_47] : memref<8192xf32, #tpu.memory_space<vmem>>[vector<16xi32>], vector<16xf32>,
        tpu.vector_store_idx %arg9[%add3A_44], %gather3A_48 : memref<24576xf32, #tpu.memory_space<vmem>>[vector<16xi32>], vector<16xf32>,
        %add3A_49 = arith.constant 1 : i32
        %add3A_50 = vector.broadcast %add3A_49 : i32 to vector<16xi32>
        %add3A_51 = arith.addi %add3A_35, %add3A_50 : vector<16xi32>
        %add3A_52 = arith.constant 1 : i32
        %add3A_53 = vector.broadcast %add3A_52 : i32 to vector<16xi32>
        %add3A_54 = arith.addi %mul3A_28, %add3A_53 : vector<16xi32>
        %gather3A_55 = tpu.vector_load_idx %arg6[%add3A_54] : memref<8192xf32, #tpu.memory_space<vmem>>[vector<16xi32>], vector<16xf32>,
        tpu.vector_store_idx %arg8[%add3A_51], %gather3A_55 : memref<24576xf32, #tpu.memory_space<vmem>>[vector<16xi32>], vector<16xf32>,
        %add3A_56 = arith.constant 1 : i32
        %add3A_57 = vector.broadcast %add3A_56 : i32 to vector<16xi32>
        %add3A_58 = arith.addi %add3A_35, %add3A_57 : vector<16xi32>
        %add3A_59 = arith.constant 4 : i32
        %add3A_60 = vector.broadcast %add3A_59 : i32 to vector<16xi32>
        %add3A_61 = arith.addi %mul3A_28, %add3A_60 : vector<16xi32>
        %gather3A_62 = tpu.vector_load_idx %arg6[%add3A_61] : memref<8192xf32, #tpu.memory_space<vmem>>[vector<16xi32>], vector<16xf32>,
        tpu.vector_store_idx %arg9[%add3A_58], %gather3A_62 : memref<24576xf32, #tpu.memory_space<vmem>>[vector<16xi32>], vector<16xf32>,
        %add3A_63 = arith.constant 2 : i32
        %add3A_64 = vector.broadcast %add3A_63 : i32 to vector<16xi32>
        %add3A_65 = arith.addi %add3A_35, %add3A_64 : vector<16xi32>
        %add3A_66 = arith.constant 2 : i32
        %add3A_67 = vector.broadcast %add3A_66 : i32 to vector<16xi32>
        %add3A_68 = arith.addi %mul3A_28, %add3A_67 : vector<16xi32>
        %gather3A_69 = tpu.vector_load_idx %arg6[%add3A_68] : memref<8192xf32, #tpu.memory_space<vmem>>[vector<16xi32>], vector<16xf32>,
        tpu.vector_store_idx %arg8[%add3A_65], %gather3A_69 : memref<24576xf32, #tpu.memory_space<vmem>>[vector<16xi32>], vector<16xf32>,
        %add3A_70 = arith.constant 2 : i32
        %add3A_71 = vector.broadcast %add3A_70 : i32 to vector<16xi32>
        %add3A_72 = arith.addi %add3A_35, %add3A_71 : vector<16xi32>
        %add3A_73 = arith.constant 5 : i32
        %add3A_74 = vector.broadcast %add3A_73 : i32 to vector<16xi32>
        %add3A_75 = arith.addi %mul3A_28, %add3A_74 : vector<16xi32>
        %gather3A_76 = tpu.vector_load_idx %arg6[%add3A_75] : memref<8192xf32, #tpu.memory_space<vmem>>[vector<16xi32>], vector<16xf32>,
        tpu.vector_store_idx %arg9[%add3A_72], %gather3A_76 : memref<24576xf32, #tpu.memory_space<vmem>>[vector<16xi32>], vector<16xf32>,
      }
      %scan3A_17 = arith.constant 512 : i32
      "tpu.region"() ({
        %run_scoped3A = tpu.sem_alloc : memref<!tpu.dma_semaphore, #tpu.memory_space<semaphore_mem>>
        %dma_start3A = arith.constant 0 : i32
        %dma_start3A_18 = tpu.memref_slice %arg4[%add3A_12, %dma_start3A] : memref<128x24576xf32, #tpu.memory_space<hbm>> -> memref<1x24576xf32, #tpu.memory_space<hbm>>
        %dma_start3A_19 = tpu.memref_squeeze %dma_start3A_18 : memref<1x24576xf32, #tpu.memory_space<hbm>> -> memref<24576xf32, #tpu.memory_space<hbm>>
        %dma_start3A_20 = arith.constant 0 : i32
        %dma_start3A_21 = tpu.memref_slice %arg4[%add3A_12, %dma_start3A_20] : memref<128x24576xf32, #tpu.memory_space<hbm>> -> memref<1x24576xf32, #tpu.memory_space<hbm>>
        %dma_start3A_22 = tpu.memref_squeeze %dma_start3A_21 : memref<1x24576xf32, #tpu.memory_space<hbm>> -> memref<24576xf32, #tpu.memory_space<hbm>>
        tpu.enqueue_dma source(%arg8 : memref<24576xf32, #tpu.memory_space<vmem>>) target(%dma_start3A_22 : memref<24576xf32, #tpu.memory_space<hbm>>) target_semaphore(%run_scoped3A : memref<!tpu.dma_semaphore, #tpu.memory_space<semaphore_mem>>)
        %dma_wait3A = arith.constant 0 : i32
        %dma_wait3A_23 = tpu.memref_slice %arg4[%add3A_12, %dma_wait3A] : memref<128x24576xf32, #tpu.memory_space<hbm>> -> memref<1x24576xf32, #tpu.memory_space<hbm>>
        %dma_wait3A_24 = tpu.memref_squeeze %dma_wait3A_23 : memref<1x24576xf32, #tpu.memory_space<hbm>> -> memref<24576xf32, #tpu.memory_space<hbm>>
        %dma_wait3A_25 = arith.constant 0 : i32
        %dma_wait3A_26 = tpu.memref_slice %arg4[%add3A_12, %dma_wait3A_25] : memref<128x24576xf32, #tpu.memory_space<hbm>> -> memref<1x24576xf32, #tpu.memory_space<hbm>>
        %dma_wait3A_27 = tpu.memref_squeeze %dma_wait3A_26 : memref<1x24576xf32, #tpu.memory_space<hbm>> -> memref<24576xf32, #tpu.memory_space<hbm>>
        tpu.wait_dma2 semaphore(%run_scoped3A : memref<!tpu.dma_semaphore, #tpu.memory_space<semaphore_mem>>) src(%arg8 : memref<24576xf32, #tpu.memory_space<vmem>>) dst(%dma_wait3A_27 : memref<24576xf32, #tpu.memory_space<hbm>>)
        tpu.yield
      }) : () -> ()
      "tpu.region"() ({
        %run_scoped3A = tpu.sem_alloc : memref<!tpu.dma_semaphore, #tpu.memory_space<semaphore_mem>>
        %dma_start3A = arith.constant 0 : i32
        %dma_start3A_18 = tpu.memref_slice %arg5[%add3A_12, %dma_start3A] : memref<128x24576xf32, #tpu.memory_space<hbm>> -> memref<1x24576xf32, #tpu.memory_space<hbm>>
        %dma_start3A_19 = tpu.memref_squeeze %dma_start3A_18 : memref<1x24576xf32, #tpu.memory_space<hbm>> -> memref<24576xf32, #tpu.memory_space<hbm>>
        %dma_start3A_20 = arith.constant 0 : i32
        %dma_start3A_21 = tpu.memref_slice %arg5[%add3A_12, %dma_start3A_20] : memref<128x24576xf32, #tpu.memory_space<hbm>> -> memref<1x24576xf32, #tpu.memory_space<hbm>>
        %dma_start3A_22 = tpu.memref_squeeze %dma_start3A_21 : memref<1x24576xf32, #tpu.memory_space<hbm>> -> memref<24576xf32, #tpu.memory_space<hbm>>
        tpu.enqueue_dma source(%arg9 : memref<24576xf32, #tpu.memory_space<vmem>>) target(%dma_start3A_22 : memref<24576xf32, #tpu.memory_space<hbm>>) target_semaphore(%run_scoped3A : memref<!tpu.dma_semaphore, #tpu.memory_space<semaphore_mem>>)
        %dma_wait3A = arith.constant 0 : i32
        %dma_wait3A_23 = tpu.memref_slice %arg5[%add3A_12, %dma_wait3A] : memref<128x24576xf32, #tpu.memory_space<hbm>> -> memref<1x24576xf32, #tpu.memory_space<hbm>>
        %dma_wait3A_24 = tpu.memref_squeeze %dma_wait3A_23 : memref<1x24576xf32, #tpu.memory_space<hbm>> -> memref<24576xf32, #tpu.memory_space<hbm>>
        %dma_wait3A_25 = arith.constant 0 : i32
        %dma_wait3A_26 = tpu.memref_slice %arg5[%add3A_12, %dma_wait3A_25] : memref<128x24576xf32, #tpu.memory_space<hbm>> -> memref<1x24576xf32, #tpu.memory_space<hbm>>
        %dma_wait3A_27 = tpu.memref_squeeze %dma_wait3A_26 : memref<1x24576xf32, #tpu.memory_space<hbm>> -> memref<24576xf32, #tpu.memory_space<hbm>>
        tpu.wait_dma2 semaphore(%run_scoped3A : memref<!tpu.dma_semaphore, #tpu.memory_space<semaphore_mem>>) src(%arg9 : memref<24576xf32, #tpu.memory_space<vmem>>) dst(%dma_wait3A_27 : memref<24576xf32, #tpu.memory_space<hbm>>)
        tpu.yield
      }) : () -> ()
    }
    %scan3A_4 = arith.constant 4 : i32
    return
  }
}

module attributes {stable_mosaic.version = 14 : i64} {
  func.func @_knn_body(%arg0: i32, %arg1: i32, %arg2: i32, %arg3: memref<1x1x3x1024xf32, #tpu.memory_space<vmem>>, %arg4: memref<1x256x3xf32, #tpu.memory_space<vmem>>, %arg5: memref<1x1x256x16xf32, #tpu.memory_space<vmem>>, %arg6: memref<1x1x256x16xi32, #tpu.memory_space<vmem>>, %arg7: memref<1x1x256x3xf32, #tpu.memory_space<vmem>>, %arg8: memref<256x3xf32, #tpu.memory_space<vmem>>) attributes {dimension_semantics = [#tpu.dimension_semantics<arbitrary>, #tpu.dimension_semantics<arbitrary>, #tpu.dimension_semantics<arbitrary>], iteration_bounds = array<i64: 16, 2, 8>, scalar_prefetch = 0 : i64, scratch_operands = 1 : i64, tpu.core_type = #tpu.core_type<tc>, window_params = [{transform_indices = @transform_0, window_bounds = array<i64: 1, 1, 3, 1024>}, {transform_indices = @transform_1, window_bounds = array<i64: 1, 256, 3>}, {transform_indices = @transform_2, window_bounds = array<i64: 1, 1, 256, 16>}, {transform_indices = @transform_3, window_bounds = array<i64: 1, 1, 256, 16>}, {transform_indices = @transform_4, window_bounds = array<i64: 1, 1, 256, 3>}]} {
    %eq3A = arith.constant 0 : i32
    %eq3A_0 = arith.cmpi eq, %arg2, %eq3A : i32
    %convert_element_type3A = arith.extui %eq3A_0 : i1 to i32
    %cond3A = arith.constant 0 : i32
    %cond3A_1 = arith.cmpi ne, %convert_element_type3A, %cond3A : i32
    scf.if %cond3A_1 {
      %get3A_325 = arith.constant 0 : index
      %get3A_326 = arith.constant 0 : index
      %get3A_327 = arith.constant 0 : index
      %get3A_328 = vector.load %arg4[%get3A_325, %get3A_326, %get3A_327] : memref<1x256x3xf32, #tpu.memory_space<vmem>>, vector<1x256x3xf32>
      %reshape3A = vector.shape_cast %get3A_328 : vector<1x256x3xf32> to vector<256x3xf32>
      %swap3A_329 = arith.constant 0 : index
      %swap3A_330 = arith.constant 0 : index
      %swap3A_331 = vector.load %arg8[%swap3A_329, %swap3A_330] : memref<256x3xf32, #tpu.memory_space<vmem>>, vector<256x3xf32>
      tpu.vector_store %arg8[%swap3A_329, %swap3A_330], %reshape3A {strides = array<i32>} : memref<256x3xf32, #tpu.memory_space<vmem>>, vector<256x3xf32>,
    } else {
    }
    %get3A = arith.constant 0 : index
    %get3A_2 = arith.constant 0 : index
    %get3A_3 = vector.load %arg8[%get3A, %get3A_2] : memref<256x3xf32, #tpu.memory_space<vmem>>, vector<256x3xf32>
    %slice3A = vector.extract_strided_slice %get3A_3 {offsets = [0, 0], sizes = [256, 1], strides = [1, 1]} : vector<256x3xf32> to vector<256x1xf32>
    %slice3A_4 = vector.extract_strided_slice %get3A_3 {offsets = [0, 1], sizes = [256, 1], strides = [1, 1]} : vector<256x3xf32> to vector<256x1xf32>
    %slice3A_5 = vector.extract_strided_slice %get3A_3 {offsets = [0, 2], sizes = [256, 1], strides = [1, 1]} : vector<256x3xf32> to vector<256x1xf32>
    %get3A_6 = arith.constant 0 : index
    %get3A_7 = arith.constant 0 : index
    %get3A_8 = arith.constant 0 : index
    %get3A_9 = arith.constant 0 : index
    %get3A_10 = vector.load %arg3[%get3A_6, %get3A_7, %get3A_8, %get3A_9] : memref<1x1x3x1024xf32, #tpu.memory_space<vmem>>, vector<1x1x1x1024xf32>
    %get3A_11 = vector.shape_cast %get3A_10 : vector<1x1x1x1024xf32> to vector<1x1024xf32>
    %get3A_12 = arith.constant 0 : index
    %get3A_13 = arith.constant 0 : index
    %get3A_14 = arith.constant 1 : index
    %get3A_15 = arith.constant 0 : index
    %get3A_16 = vector.load %arg3[%get3A_12, %get3A_13, %get3A_14, %get3A_15] : memref<1x1x3x1024xf32, #tpu.memory_space<vmem>>, vector<1x1x1x1024xf32>
    %get3A_17 = vector.shape_cast %get3A_16 : vector<1x1x1x1024xf32> to vector<1x1024xf32>
    %get3A_18 = arith.constant 0 : index
    %get3A_19 = arith.constant 0 : index
    %get3A_20 = arith.constant 2 : index
    %get3A_21 = arith.constant 0 : index
    %get3A_22 = vector.load %arg3[%get3A_18, %get3A_19, %get3A_20, %get3A_21] : memref<1x1x3x1024xf32, #tpu.memory_space<vmem>>, vector<1x1x1x1024xf32>
    %get3A_23 = vector.shape_cast %get3A_22 : vector<1x1x1x1024xf32> to vector<1x1024xf32>
    %sub3A = vector.broadcast %slice3A : vector<256x1xf32> to vector<256x1024xf32>
    %sub3A_24 = vector.broadcast %get3A_11 : vector<1x1024xf32> to vector<256x1024xf32>
    %sub3A_25 = arith.subf %sub3A, %sub3A_24 : vector<256x1024xf32>
    %sub3A_26 = vector.broadcast %slice3A_4 : vector<256x1xf32> to vector<256x1024xf32>
    %sub3A_27 = vector.broadcast %get3A_17 : vector<1x1024xf32> to vector<256x1024xf32>
    %sub3A_28 = arith.subf %sub3A_26, %sub3A_27 : vector<256x1024xf32>
    %sub3A_29 = vector.broadcast %slice3A_5 : vector<256x1xf32> to vector<256x1024xf32>
    %sub3A_30 = vector.broadcast %get3A_23 : vector<1x1024xf32> to vector<256x1024xf32>
    %sub3A_31 = arith.subf %sub3A_29, %sub3A_30 : vector<256x1024xf32>
    %mul3A = arith.mulf %sub3A_25, %sub3A_25 : vector<256x1024xf32>
    %mul3A_32 = arith.mulf %sub3A_28, %sub3A_28 : vector<256x1024xf32>
    %add3A = arith.addf %mul3A, %mul3A_32 : vector<256x1024xf32>
    %mul3A_33 = arith.mulf %sub3A_31, %sub3A_31 : vector<256x1024xf32>
    %add3A_34 = arith.addf %add3A, %mul3A_33 : vector<256x1024xf32>
    %iota3A = tpu.iota {dimensions = array<i32: 1>} : vector<256x1024xi32>
    %convert_element_type3A_35 = arith.sitofp %iota3A : vector<256x1024xi32> to vector<256x1024xf32>
    %reduce_min3A = arith.constant dense<0x7F800000> : vector<256xf32>
    %reduce_min3A_36 = vector.multi_reduction <minimumf>, %add3A_34, %reduce_min3A [1] : vector<256x1024xf32> to vector<256xf32>
    %broadcast_in_dim3A = vector.shape_cast %reduce_min3A_36 : vector<256xf32> to vector<256x1xf32>
    %eq3A_37 = vector.broadcast %broadcast_in_dim3A : vector<256x1xf32> to vector<256x1024xf32>
    %eq3A_38 = arith.cmpf oeq, %add3A_34, %eq3A_37 : vector<256x1024xf32>
    %jit3A = arith.constant 2.048000e+03 : f32
    %broadcast_in_dim3A_39 = vector.broadcast %jit3A : f32 to vector<256x1024xf32>
    %select_n3A = arith.select %eq3A_38, %convert_element_type3A_35, %broadcast_in_dim3A_39 : vector<256x1024xi1>, vector<256x1024xf32>
    %reduce_min3A_40 = arith.constant dense<0x7F800000> : vector<256xf32>
    %reduce_min3A_41 = vector.multi_reduction <minimumf>, %select_n3A, %reduce_min3A_40 [1] : vector<256x1024xf32> to vector<256xf32>
    %broadcast_in_dim3A_42 = vector.shape_cast %reduce_min3A_41 : vector<256xf32> to vector<256x1xf32>
    %eq3A_43 = vector.broadcast %broadcast_in_dim3A_42 : vector<256x1xf32> to vector<256x1024xf32>
    %eq3A_44 = arith.cmpf oeq, %convert_element_type3A_35, %eq3A_43 : vector<256x1024xf32>
    %convert_element_type3A_45 = arith.extui %eq3A_44 : vector<256x1024xi1> to vector<256x1024xi32>
    %convert_element_type3A_46 = arith.sitofp %convert_element_type3A_45 : vector<256x1024xi32> to vector<256x1024xf32>
    %mul3A_47 = vector.broadcast %get3A_11 : vector<1x1024xf32> to vector<256x1024xf32>
    %mul3A_48 = arith.mulf %convert_element_type3A_46, %mul3A_47 : vector<256x1024xf32>
    %reduce_sum3A = arith.constant dense<0.000000e+00> : vector<256xf32>
    %reduce_sum3A_49 = vector.multi_reduction <add>, %mul3A_48, %reduce_sum3A [1] : vector<256x1024xf32> to vector<256xf32>
    %broadcast_in_dim3A_50 = vector.shape_cast %reduce_sum3A_49 : vector<256xf32> to vector<256x1xf32>
    %mul3A_51 = vector.broadcast %get3A_17 : vector<1x1024xf32> to vector<256x1024xf32>
    %mul3A_52 = arith.mulf %convert_element_type3A_46, %mul3A_51 : vector<256x1024xf32>
    %reduce_sum3A_53 = arith.constant dense<0.000000e+00> : vector<256xf32>
    %reduce_sum3A_54 = vector.multi_reduction <add>, %mul3A_52, %reduce_sum3A_53 [1] : vector<256x1024xf32> to vector<256xf32>
    %broadcast_in_dim3A_55 = vector.shape_cast %reduce_sum3A_54 : vector<256xf32> to vector<256x1xf32>
    %mul3A_56 = vector.broadcast %get3A_23 : vector<1x1024xf32> to vector<256x1024xf32>
    %mul3A_57 = arith.mulf %convert_element_type3A_46, %mul3A_56 : vector<256x1024xf32>
    %reduce_sum3A_58 = arith.constant dense<0.000000e+00> : vector<256xf32>
    %reduce_sum3A_59 = vector.multi_reduction <add>, %mul3A_57, %reduce_sum3A_58 [1] : vector<256x1024xf32> to vector<256xf32>
    %broadcast_in_dim3A_60 = vector.shape_cast %reduce_sum3A_59 : vector<256xf32> to vector<256x1xf32>
    %concatenate3A = tpu.concatenate %broadcast_in_dim3A_50, %broadcast_in_dim3A_55, %broadcast_in_dim3A_60 in 1 : vector<256x1xf32>, vector<256x1xf32>, vector<256x1xf32> -> vector<256x3xf32>
    %swap3A = arith.constant 0 : index
    %swap3A_61 = arith.constant 0 : index
    %swap3A_62 = vector.load %arg8[%swap3A, %swap3A_61] : memref<256x3xf32, #tpu.memory_space<vmem>>, vector<256x3xf32>
    tpu.vector_store %arg8[%swap3A, %swap3A_61], %concatenate3A {strides = array<i32>} : memref<256x3xf32, #tpu.memory_space<vmem>>, vector<256x3xf32>,
    %swap3A_63 = arith.constant 0 : index
    %swap3A_64 = arith.constant 0 : index
    %swap3A_65 = arith.constant 0 : index
    %swap3A_66 = arith.constant 0 : index
    %swap3A_67 = vector.load %arg7[%swap3A_63, %swap3A_64, %swap3A_65, %swap3A_66] : memref<1x1x256x3xf32, #tpu.memory_space<vmem>>, vector<1x1x256x3xf32>
    %swap3A_68 = vector.shape_cast %swap3A_67 : vector<1x1x256x3xf32> to vector<256x3xf32>
    %swap3A_69 = vector.shape_cast %concatenate3A : vector<256x3xf32> to vector<1x1x256x3xf32>
    tpu.vector_store %arg7[%swap3A_63, %swap3A_64, %swap3A_65, %swap3A_66], %swap3A_69 {strides = array<i32>} : memref<1x1x256x3xf32, #tpu.memory_space<vmem>>, vector<1x1x256x3xf32>,
    %jit3A_70 = arith.constant 0x7F800000 : f32
    %broadcast_in_dim3A_71 = vector.broadcast %jit3A_70 : f32 to vector<256x1024xf32>
    %select_n3A_72 = arith.select %eq3A_44, %broadcast_in_dim3A_71, %add3A_34 : vector<256x1024xi1>, vector<256x1024xf32>
    %reduce_min3A_73 = arith.constant dense<0x7F800000> : vector<256xf32>
    %reduce_min3A_74 = vector.multi_reduction <minimumf>, %select_n3A_72, %reduce_min3A_73 [1] : vector<256x1024xf32> to vector<256xf32>
    %broadcast_in_dim3A_75 = vector.shape_cast %reduce_min3A_74 : vector<256xf32> to vector<256x1xf32>
    %eq3A_76 = vector.broadcast %broadcast_in_dim3A_75 : vector<256x1xf32> to vector<256x1024xf32>
    %eq3A_77 = arith.cmpf oeq, %select_n3A_72, %eq3A_76 : vector<256x1024xf32>
    %jit3A_78 = arith.constant 2.048000e+03 : f32
    %broadcast_in_dim3A_79 = vector.broadcast %jit3A_78 : f32 to vector<256x1024xf32>
    %select_n3A_80 = arith.select %eq3A_77, %convert_element_type3A_35, %broadcast_in_dim3A_79 : vector<256x1024xi1>, vector<256x1024xf32>
    %reduce_min3A_81 = arith.constant dense<0x7F800000> : vector<256xf32>
    %reduce_min3A_82 = vector.multi_reduction <minimumf>, %select_n3A_80, %reduce_min3A_81 [1] : vector<256x1024xf32> to vector<256xf32>
    %broadcast_in_dim3A_83 = vector.shape_cast %reduce_min3A_82 : vector<256xf32> to vector<256x1xf32>
    %eq3A_84 = vector.broadcast %broadcast_in_dim3A_83 : vector<256x1xf32> to vector<256x1024xf32>
    %eq3A_85 = arith.cmpf oeq, %convert_element_type3A_35, %eq3A_84 : vector<256x1024xf32>
    %jit3A_86 = arith.constant 0x7F800000 : f32
    %broadcast_in_dim3A_87 = vector.broadcast %jit3A_86 : f32 to vector<256x1024xf32>
    %select_n3A_88 = arith.select %eq3A_85, %broadcast_in_dim3A_87, %select_n3A_72 : vector<256x1024xi1>, vector<256x1024xf32>
    %reduce_min3A_89 = arith.constant dense<0x7F800000> : vector<256xf32>
    %reduce_min3A_90 = vector.multi_reduction <minimumf>, %select_n3A_88, %reduce_min3A_89 [1] : vector<256x1024xf32> to vector<256xf32>
    %broadcast_in_dim3A_91 = vector.shape_cast %reduce_min3A_90 : vector<256xf32> to vector<256x1xf32>
    %eq3A_92 = vector.broadcast %broadcast_in_dim3A_91 : vector<256x1xf32> to vector<256x1024xf32>
    %eq3A_93 = arith.cmpf oeq, %select_n3A_88, %eq3A_92 : vector<256x1024xf32>
    %jit3A_94 = arith.constant 2.048000e+03 : f32
    %broadcast_in_dim3A_95 = vector.broadcast %jit3A_94 : f32 to vector<256x1024xf32>
    %select_n3A_96 = arith.select %eq3A_93, %convert_element_type3A_35, %broadcast_in_dim3A_95 : vector<256x1024xi1>, vector<256x1024xf32>
    %reduce_min3A_97 = arith.constant dense<0x7F800000> : vector<256xf32>
    %reduce_min3A_98 = vector.multi_reduction <minimumf>, %select_n3A_96, %reduce_min3A_97 [1] : vector<256x1024xf32> to vector<256xf32>
    %broadcast_in_dim3A_99 = vector.shape_cast %reduce_min3A_98 : vector<256xf32> to vector<256x1xf32>
    %eq3A_100 = vector.broadcast %broadcast_in_dim3A_99 : vector<256x1xf32> to vector<256x1024xf32>
    %eq3A_101 = arith.cmpf oeq, %convert_element_type3A_35, %eq3A_100 : vector<256x1024xf32>
    %jit3A_102 = arith.constant 0x7F800000 : f32
    %broadcast_in_dim3A_103 = vector.broadcast %jit3A_102 : f32 to vector<256x1024xf32>
    %select_n3A_104 = arith.select %eq3A_101, %broadcast_in_dim3A_103, %select_n3A_88 : vector<256x1024xi1>, vector<256x1024xf32>
    %reduce_min3A_105 = arith.constant dense<0x7F800000> : vector<256xf32>
    %reduce_min3A_106 = vector.multi_reduction <minimumf>, %select_n3A_104, %reduce_min3A_105 [1] : vector<256x1024xf32> to vector<256xf32>
    %broadcast_in_dim3A_107 = vector.shape_cast %reduce_min3A_106 : vector<256xf32> to vector<256x1xf32>
    %eq3A_108 = vector.broadcast %broadcast_in_dim3A_107 : vector<256x1xf32> to vector<256x1024xf32>
    %eq3A_109 = arith.cmpf oeq, %select_n3A_104, %eq3A_108 : vector<256x1024xf32>
    %jit3A_110 = arith.constant 2.048000e+03 : f32
    %broadcast_in_dim3A_111 = vector.broadcast %jit3A_110 : f32 to vector<256x1024xf32>
    %select_n3A_112 = arith.select %eq3A_109, %convert_element_type3A_35, %broadcast_in_dim3A_111 : vector<256x1024xi1>, vector<256x1024xf32>
    %reduce_min3A_113 = arith.constant dense<0x7F800000> : vector<256xf32>
    %reduce_min3A_114 = vector.multi_reduction <minimumf>, %select_n3A_112, %reduce_min3A_113 [1] : vector<256x1024xf32> to vector<256xf32>
    %broadcast_in_dim3A_115 = vector.shape_cast %reduce_min3A_114 : vector<256xf32> to vector<256x1xf32>
    %eq3A_116 = vector.broadcast %broadcast_in_dim3A_115 : vector<256x1xf32> to vector<256x1024xf32>
    %eq3A_117 = arith.cmpf oeq, %convert_element_type3A_35, %eq3A_116 : vector<256x1024xf32>
    %jit3A_118 = arith.constant 0x7F800000 : f32
    %broadcast_in_dim3A_119 = vector.broadcast %jit3A_118 : f32 to vector<256x1024xf32>
    %select_n3A_120 = arith.select %eq3A_117, %broadcast_in_dim3A_119, %select_n3A_104 : vector<256x1024xi1>, vector<256x1024xf32>
    %reduce_min3A_121 = arith.constant dense<0x7F800000> : vector<256xf32>
    %reduce_min3A_122 = vector.multi_reduction <minimumf>, %select_n3A_120, %reduce_min3A_121 [1] : vector<256x1024xf32> to vector<256xf32>
    %broadcast_in_dim3A_123 = vector.shape_cast %reduce_min3A_122 : vector<256xf32> to vector<256x1xf32>
    %eq3A_124 = vector.broadcast %broadcast_in_dim3A_123 : vector<256x1xf32> to vector<256x1024xf32>
    %eq3A_125 = arith.cmpf oeq, %select_n3A_120, %eq3A_124 : vector<256x1024xf32>
    %jit3A_126 = arith.constant 2.048000e+03 : f32
    %broadcast_in_dim3A_127 = vector.broadcast %jit3A_126 : f32 to vector<256x1024xf32>
    %select_n3A_128 = arith.select %eq3A_125, %convert_element_type3A_35, %broadcast_in_dim3A_127 : vector<256x1024xi1>, vector<256x1024xf32>
    %reduce_min3A_129 = arith.constant dense<0x7F800000> : vector<256xf32>
    %reduce_min3A_130 = vector.multi_reduction <minimumf>, %select_n3A_128, %reduce_min3A_129 [1] : vector<256x1024xf32> to vector<256xf32>
    %broadcast_in_dim3A_131 = vector.shape_cast %reduce_min3A_130 : vector<256xf32> to vector<256x1xf32>
    %eq3A_132 = vector.broadcast %broadcast_in_dim3A_131 : vector<256x1xf32> to vector<256x1024xf32>
    %eq3A_133 = arith.cmpf oeq, %convert_element_type3A_35, %eq3A_132 : vector<256x1024xf32>
    %jit3A_134 = arith.constant 0x7F800000 : f32
    %broadcast_in_dim3A_135 = vector.broadcast %jit3A_134 : f32 to vector<256x1024xf32>
    %select_n3A_136 = arith.select %eq3A_133, %broadcast_in_dim3A_135, %select_n3A_120 : vector<256x1024xi1>, vector<256x1024xf32>
    %reduce_min3A_137 = arith.constant dense<0x7F800000> : vector<256xf32>
    %reduce_min3A_138 = vector.multi_reduction <minimumf>, %select_n3A_136, %reduce_min3A_137 [1] : vector<256x1024xf32> to vector<256xf32>
    %broadcast_in_dim3A_139 = vector.shape_cast %reduce_min3A_138 : vector<256xf32> to vector<256x1xf32>
    %eq3A_140 = vector.broadcast %broadcast_in_dim3A_139 : vector<256x1xf32> to vector<256x1024xf32>
    %eq3A_141 = arith.cmpf oeq, %select_n3A_136, %eq3A_140 : vector<256x1024xf32>
    %jit3A_142 = arith.constant 2.048000e+03 : f32
    %broadcast_in_dim3A_143 = vector.broadcast %jit3A_142 : f32 to vector<256x1024xf32>
    %select_n3A_144 = arith.select %eq3A_141, %convert_element_type3A_35, %broadcast_in_dim3A_143 : vector<256x1024xi1>, vector<256x1024xf32>
    %reduce_min3A_145 = arith.constant dense<0x7F800000> : vector<256xf32>
    %reduce_min3A_146 = vector.multi_reduction <minimumf>, %select_n3A_144, %reduce_min3A_145 [1] : vector<256x1024xf32> to vector<256xf32>
    %broadcast_in_dim3A_147 = vector.shape_cast %reduce_min3A_146 : vector<256xf32> to vector<256x1xf32>
    %eq3A_148 = vector.broadcast %broadcast_in_dim3A_147 : vector<256x1xf32> to vector<256x1024xf32>
    %eq3A_149 = arith.cmpf oeq, %convert_element_type3A_35, %eq3A_148 : vector<256x1024xf32>
    %jit3A_150 = arith.constant 0x7F800000 : f32
    %broadcast_in_dim3A_151 = vector.broadcast %jit3A_150 : f32 to vector<256x1024xf32>
    %select_n3A_152 = arith.select %eq3A_149, %broadcast_in_dim3A_151, %select_n3A_136 : vector<256x1024xi1>, vector<256x1024xf32>
    %reduce_min3A_153 = arith.constant dense<0x7F800000> : vector<256xf32>
    %reduce_min3A_154 = vector.multi_reduction <minimumf>, %select_n3A_152, %reduce_min3A_153 [1] : vector<256x1024xf32> to vector<256xf32>
    %broadcast_in_dim3A_155 = vector.shape_cast %reduce_min3A_154 : vector<256xf32> to vector<256x1xf32>
    %eq3A_156 = vector.broadcast %broadcast_in_dim3A_155 : vector<256x1xf32> to vector<256x1024xf32>
    %eq3A_157 = arith.cmpf oeq, %select_n3A_152, %eq3A_156 : vector<256x1024xf32>
    %jit3A_158 = arith.constant 2.048000e+03 : f32
    %broadcast_in_dim3A_159 = vector.broadcast %jit3A_158 : f32 to vector<256x1024xf32>
    %select_n3A_160 = arith.select %eq3A_157, %convert_element_type3A_35, %broadcast_in_dim3A_159 : vector<256x1024xi1>, vector<256x1024xf32>
    %reduce_min3A_161 = arith.constant dense<0x7F800000> : vector<256xf32>
    %reduce_min3A_162 = vector.multi_reduction <minimumf>, %select_n3A_160, %reduce_min3A_161 [1] : vector<256x1024xf32> to vector<256xf32>
    %broadcast_in_dim3A_163 = vector.shape_cast %reduce_min3A_162 : vector<256xf32> to vector<256x1xf32>
    %eq3A_164 = vector.broadcast %broadcast_in_dim3A_163 : vector<256x1xf32> to vector<256x1024xf32>
    %eq3A_165 = arith.cmpf oeq, %convert_element_type3A_35, %eq3A_164 : vector<256x1024xf32>
    %jit3A_166 = arith.constant 0x7F800000 : f32
    %broadcast_in_dim3A_167 = vector.broadcast %jit3A_166 : f32 to vector<256x1024xf32>
    %select_n3A_168 = arith.select %eq3A_165, %broadcast_in_dim3A_167, %select_n3A_152 : vector<256x1024xi1>, vector<256x1024xf32>
    %reduce_min3A_169 = arith.constant dense<0x7F800000> : vector<256xf32>
    %reduce_min3A_170 = vector.multi_reduction <minimumf>, %select_n3A_168, %reduce_min3A_169 [1] : vector<256x1024xf32> to vector<256xf32>
    %broadcast_in_dim3A_171 = vector.shape_cast %reduce_min3A_170 : vector<256xf32> to vector<256x1xf32>
    %eq3A_172 = vector.broadcast %broadcast_in_dim3A_171 : vector<256x1xf32> to vector<256x1024xf32>
    %eq3A_173 = arith.cmpf oeq, %select_n3A_168, %eq3A_172 : vector<256x1024xf32>
    %jit3A_174 = arith.constant 2.048000e+03 : f32
    %broadcast_in_dim3A_175 = vector.broadcast %jit3A_174 : f32 to vector<256x1024xf32>
    %select_n3A_176 = arith.select %eq3A_173, %convert_element_type3A_35, %broadcast_in_dim3A_175 : vector<256x1024xi1>, vector<256x1024xf32>
    %reduce_min3A_177 = arith.constant dense<0x7F800000> : vector<256xf32>
    %reduce_min3A_178 = vector.multi_reduction <minimumf>, %select_n3A_176, %reduce_min3A_177 [1] : vector<256x1024xf32> to vector<256xf32>
    %broadcast_in_dim3A_179 = vector.shape_cast %reduce_min3A_178 : vector<256xf32> to vector<256x1xf32>
    %eq3A_180 = vector.broadcast %broadcast_in_dim3A_179 : vector<256x1xf32> to vector<256x1024xf32>
    %eq3A_181 = arith.cmpf oeq, %convert_element_type3A_35, %eq3A_180 : vector<256x1024xf32>
    %jit3A_182 = arith.constant 0x7F800000 : f32
    %broadcast_in_dim3A_183 = vector.broadcast %jit3A_182 : f32 to vector<256x1024xf32>
    %select_n3A_184 = arith.select %eq3A_181, %broadcast_in_dim3A_183, %select_n3A_168 : vector<256x1024xi1>, vector<256x1024xf32>
    %reduce_min3A_185 = arith.constant dense<0x7F800000> : vector<256xf32>
    %reduce_min3A_186 = vector.multi_reduction <minimumf>, %select_n3A_184, %reduce_min3A_185 [1] : vector<256x1024xf32> to vector<256xf32>
    %broadcast_in_dim3A_187 = vector.shape_cast %reduce_min3A_186 : vector<256xf32> to vector<256x1xf32>
    %eq3A_188 = vector.broadcast %broadcast_in_dim3A_187 : vector<256x1xf32> to vector<256x1024xf32>
    %eq3A_189 = arith.cmpf oeq, %select_n3A_184, %eq3A_188 : vector<256x1024xf32>
    %jit3A_190 = arith.constant 2.048000e+03 : f32
    %broadcast_in_dim3A_191 = vector.broadcast %jit3A_190 : f32 to vector<256x1024xf32>
    %select_n3A_192 = arith.select %eq3A_189, %convert_element_type3A_35, %broadcast_in_dim3A_191 : vector<256x1024xi1>, vector<256x1024xf32>
    %reduce_min3A_193 = arith.constant dense<0x7F800000> : vector<256xf32>
    %reduce_min3A_194 = vector.multi_reduction <minimumf>, %select_n3A_192, %reduce_min3A_193 [1] : vector<256x1024xf32> to vector<256xf32>
    %broadcast_in_dim3A_195 = vector.shape_cast %reduce_min3A_194 : vector<256xf32> to vector<256x1xf32>
    %eq3A_196 = vector.broadcast %broadcast_in_dim3A_195 : vector<256x1xf32> to vector<256x1024xf32>
    %eq3A_197 = arith.cmpf oeq, %convert_element_type3A_35, %eq3A_196 : vector<256x1024xf32>
    %jit3A_198 = arith.constant 0x7F800000 : f32
    %broadcast_in_dim3A_199 = vector.broadcast %jit3A_198 : f32 to vector<256x1024xf32>
    %select_n3A_200 = arith.select %eq3A_197, %broadcast_in_dim3A_199, %select_n3A_184 : vector<256x1024xi1>, vector<256x1024xf32>
    %reduce_min3A_201 = arith.constant dense<0x7F800000> : vector<256xf32>
    %reduce_min3A_202 = vector.multi_reduction <minimumf>, %select_n3A_200, %reduce_min3A_201 [1] : vector<256x1024xf32> to vector<256xf32>
    %broadcast_in_dim3A_203 = vector.shape_cast %reduce_min3A_202 : vector<256xf32> to vector<256x1xf32>
    %eq3A_204 = vector.broadcast %broadcast_in_dim3A_203 : vector<256x1xf32> to vector<256x1024xf32>
    %eq3A_205 = arith.cmpf oeq, %select_n3A_200, %eq3A_204 : vector<256x1024xf32>
    %jit3A_206 = arith.constant 2.048000e+03 : f32
    %broadcast_in_dim3A_207 = vector.broadcast %jit3A_206 : f32 to vector<256x1024xf32>
    %select_n3A_208 = arith.select %eq3A_205, %convert_element_type3A_35, %broadcast_in_dim3A_207 : vector<256x1024xi1>, vector<256x1024xf32>
    %reduce_min3A_209 = arith.constant dense<0x7F800000> : vector<256xf32>
    %reduce_min3A_210 = vector.multi_reduction <minimumf>, %select_n3A_208, %reduce_min3A_209 [1] : vector<256x1024xf32> to vector<256xf32>
    %broadcast_in_dim3A_211 = vector.shape_cast %reduce_min3A_210 : vector<256xf32> to vector<256x1xf32>
    %eq3A_212 = vector.broadcast %broadcast_in_dim3A_211 : vector<256x1xf32> to vector<256x1024xf32>
    %eq3A_213 = arith.cmpf oeq, %convert_element_type3A_35, %eq3A_212 : vector<256x1024xf32>
    %jit3A_214 = arith.constant 0x7F800000 : f32
    %broadcast_in_dim3A_215 = vector.broadcast %jit3A_214 : f32 to vector<256x1024xf32>
    %select_n3A_216 = arith.select %eq3A_213, %broadcast_in_dim3A_215, %select_n3A_200 : vector<256x1024xi1>, vector<256x1024xf32>
    %reduce_min3A_217 = arith.constant dense<0x7F800000> : vector<256xf32>
    %reduce_min3A_218 = vector.multi_reduction <minimumf>, %select_n3A_216, %reduce_min3A_217 [1] : vector<256x1024xf32> to vector<256xf32>
    %broadcast_in_dim3A_219 = vector.shape_cast %reduce_min3A_218 : vector<256xf32> to vector<256x1xf32>
    %eq3A_220 = vector.broadcast %broadcast_in_dim3A_219 : vector<256x1xf32> to vector<256x1024xf32>
    %eq3A_221 = arith.cmpf oeq, %select_n3A_216, %eq3A_220 : vector<256x1024xf32>
    %jit3A_222 = arith.constant 2.048000e+03 : f32
    %broadcast_in_dim3A_223 = vector.broadcast %jit3A_222 : f32 to vector<256x1024xf32>
    %select_n3A_224 = arith.select %eq3A_221, %convert_element_type3A_35, %broadcast_in_dim3A_223 : vector<256x1024xi1>, vector<256x1024xf32>
    %reduce_min3A_225 = arith.constant dense<0x7F800000> : vector<256xf32>
    %reduce_min3A_226 = vector.multi_reduction <minimumf>, %select_n3A_224, %reduce_min3A_225 [1] : vector<256x1024xf32> to vector<256xf32>
    %broadcast_in_dim3A_227 = vector.shape_cast %reduce_min3A_226 : vector<256xf32> to vector<256x1xf32>
    %eq3A_228 = vector.broadcast %broadcast_in_dim3A_227 : vector<256x1xf32> to vector<256x1024xf32>
    %eq3A_229 = arith.cmpf oeq, %convert_element_type3A_35, %eq3A_228 : vector<256x1024xf32>
    %jit3A_230 = arith.constant 0x7F800000 : f32
    %broadcast_in_dim3A_231 = vector.broadcast %jit3A_230 : f32 to vector<256x1024xf32>
    %select_n3A_232 = arith.select %eq3A_229, %broadcast_in_dim3A_231, %select_n3A_216 : vector<256x1024xi1>, vector<256x1024xf32>
    %reduce_min3A_233 = arith.constant dense<0x7F800000> : vector<256xf32>
    %reduce_min3A_234 = vector.multi_reduction <minimumf>, %select_n3A_232, %reduce_min3A_233 [1] : vector<256x1024xf32> to vector<256xf32>
    %broadcast_in_dim3A_235 = vector.shape_cast %reduce_min3A_234 : vector<256xf32> to vector<256x1xf32>
    %eq3A_236 = vector.broadcast %broadcast_in_dim3A_235 : vector<256x1xf32> to vector<256x1024xf32>
    %eq3A_237 = arith.cmpf oeq, %select_n3A_232, %eq3A_236 : vector<256x1024xf32>
    %jit3A_238 = arith.constant 2.048000e+03 : f32
    %broadcast_in_dim3A_239 = vector.broadcast %jit3A_238 : f32 to vector<256x1024xf32>
    %select_n3A_240 = arith.select %eq3A_237, %convert_element_type3A_35, %broadcast_in_dim3A_239 : vector<256x1024xi1>, vector<256x1024xf32>
    %reduce_min3A_241 = arith.constant dense<0x7F800000> : vector<256xf32>
    %reduce_min3A_242 = vector.multi_reduction <minimumf>, %select_n3A_240, %reduce_min3A_241 [1] : vector<256x1024xf32> to vector<256xf32>
    %broadcast_in_dim3A_243 = vector.shape_cast %reduce_min3A_242 : vector<256xf32> to vector<256x1xf32>
    %eq3A_244 = vector.broadcast %broadcast_in_dim3A_243 : vector<256x1xf32> to vector<256x1024xf32>
    %eq3A_245 = arith.cmpf oeq, %convert_element_type3A_35, %eq3A_244 : vector<256x1024xf32>
    %jit3A_246 = arith.constant 0x7F800000 : f32
    %broadcast_in_dim3A_247 = vector.broadcast %jit3A_246 : f32 to vector<256x1024xf32>
    %select_n3A_248 = arith.select %eq3A_245, %broadcast_in_dim3A_247, %select_n3A_232 : vector<256x1024xi1>, vector<256x1024xf32>
    %reduce_min3A_249 = arith.constant dense<0x7F800000> : vector<256xf32>
    %reduce_min3A_250 = vector.multi_reduction <minimumf>, %select_n3A_248, %reduce_min3A_249 [1] : vector<256x1024xf32> to vector<256xf32>
    %broadcast_in_dim3A_251 = vector.shape_cast %reduce_min3A_250 : vector<256xf32> to vector<256x1xf32>
    %eq3A_252 = vector.broadcast %broadcast_in_dim3A_251 : vector<256x1xf32> to vector<256x1024xf32>
    %eq3A_253 = arith.cmpf oeq, %select_n3A_248, %eq3A_252 : vector<256x1024xf32>
    %jit3A_254 = arith.constant 2.048000e+03 : f32
    %broadcast_in_dim3A_255 = vector.broadcast %jit3A_254 : f32 to vector<256x1024xf32>
    %select_n3A_256 = arith.select %eq3A_253, %convert_element_type3A_35, %broadcast_in_dim3A_255 : vector<256x1024xi1>, vector<256x1024xf32>
    %reduce_min3A_257 = arith.constant dense<0x7F800000> : vector<256xf32>
    %reduce_min3A_258 = vector.multi_reduction <minimumf>, %select_n3A_256, %reduce_min3A_257 [1] : vector<256x1024xf32> to vector<256xf32>
    %broadcast_in_dim3A_259 = vector.shape_cast %reduce_min3A_258 : vector<256xf32> to vector<256x1xf32>
    %eq3A_260 = vector.broadcast %broadcast_in_dim3A_259 : vector<256x1xf32> to vector<256x1024xf32>
    %eq3A_261 = arith.cmpf oeq, %convert_element_type3A_35, %eq3A_260 : vector<256x1024xf32>
    %jit3A_262 = arith.constant 0x7F800000 : f32
    %broadcast_in_dim3A_263 = vector.broadcast %jit3A_262 : f32 to vector<256x1024xf32>
    %select_n3A_264 = arith.select %eq3A_261, %broadcast_in_dim3A_263, %select_n3A_248 : vector<256x1024xi1>, vector<256x1024xf32>
    %reduce_min3A_265 = arith.constant dense<0x7F800000> : vector<256xf32>
    %reduce_min3A_266 = vector.multi_reduction <minimumf>, %select_n3A_264, %reduce_min3A_265 [1] : vector<256x1024xf32> to vector<256xf32>
    %broadcast_in_dim3A_267 = vector.shape_cast %reduce_min3A_266 : vector<256xf32> to vector<256x1xf32>
    %eq3A_268 = vector.broadcast %broadcast_in_dim3A_267 : vector<256x1xf32> to vector<256x1024xf32>
    %eq3A_269 = arith.cmpf oeq, %select_n3A_264, %eq3A_268 : vector<256x1024xf32>
    %jit3A_270 = arith.constant 2.048000e+03 : f32
    %broadcast_in_dim3A_271 = vector.broadcast %jit3A_270 : f32 to vector<256x1024xf32>
    %select_n3A_272 = arith.select %eq3A_269, %convert_element_type3A_35, %broadcast_in_dim3A_271 : vector<256x1024xi1>, vector<256x1024xf32>
    %reduce_min3A_273 = arith.constant dense<0x7F800000> : vector<256xf32>
    %reduce_min3A_274 = vector.multi_reduction <minimumf>, %select_n3A_272, %reduce_min3A_273 [1] : vector<256x1024xf32> to vector<256xf32>
    %broadcast_in_dim3A_275 = vector.shape_cast %reduce_min3A_274 : vector<256xf32> to vector<256x1xf32>
    %eq3A_276 = vector.broadcast %broadcast_in_dim3A_275 : vector<256x1xf32> to vector<256x1024xf32>
    %eq3A_277 = arith.cmpf oeq, %convert_element_type3A_35, %eq3A_276 : vector<256x1024xf32>
    %jit3A_278 = arith.constant 0x7F800000 : f32
    %broadcast_in_dim3A_279 = vector.broadcast %jit3A_278 : f32 to vector<256x1024xf32>
    %select_n3A_280 = arith.select %eq3A_277, %broadcast_in_dim3A_279, %select_n3A_264 : vector<256x1024xi1>, vector<256x1024xf32>
    %reduce_min3A_281 = arith.constant dense<0x7F800000> : vector<256xf32>
    %reduce_min3A_282 = vector.multi_reduction <minimumf>, %select_n3A_280, %reduce_min3A_281 [1] : vector<256x1024xf32> to vector<256xf32>
    %broadcast_in_dim3A_283 = vector.shape_cast %reduce_min3A_282 : vector<256xf32> to vector<256x1xf32>
    %eq3A_284 = vector.broadcast %broadcast_in_dim3A_283 : vector<256x1xf32> to vector<256x1024xf32>
    %eq3A_285 = arith.cmpf oeq, %select_n3A_280, %eq3A_284 : vector<256x1024xf32>
    %jit3A_286 = arith.constant 2.048000e+03 : f32
    %broadcast_in_dim3A_287 = vector.broadcast %jit3A_286 : f32 to vector<256x1024xf32>
    %select_n3A_288 = arith.select %eq3A_285, %convert_element_type3A_35, %broadcast_in_dim3A_287 : vector<256x1024xi1>, vector<256x1024xf32>
    %reduce_min3A_289 = arith.constant dense<0x7F800000> : vector<256xf32>
    %reduce_min3A_290 = vector.multi_reduction <minimumf>, %select_n3A_288, %reduce_min3A_289 [1] : vector<256x1024xf32> to vector<256xf32>
    %broadcast_in_dim3A_291 = vector.shape_cast %reduce_min3A_290 : vector<256xf32> to vector<256x1xf32>
    %eq3A_292 = vector.broadcast %broadcast_in_dim3A_291 : vector<256x1xf32> to vector<256x1024xf32>
    %eq3A_293 = arith.cmpf oeq, %convert_element_type3A_35, %eq3A_292 : vector<256x1024xf32>
    %jit3A_294 = arith.constant 0x7F800000 : f32
    %broadcast_in_dim3A_295 = vector.broadcast %jit3A_294 : f32 to vector<256x1024xf32>
    %select_n3A_296 = arith.select %eq3A_293, %broadcast_in_dim3A_295, %select_n3A_280 : vector<256x1024xi1>, vector<256x1024xf32>
    %reduce_min3A_297 = arith.constant dense<0x7F800000> : vector<256xf32>
    %reduce_min3A_298 = vector.multi_reduction <minimumf>, %select_n3A_296, %reduce_min3A_297 [1] : vector<256x1024xf32> to vector<256xf32>
    %broadcast_in_dim3A_299 = vector.shape_cast %reduce_min3A_298 : vector<256xf32> to vector<256x1xf32>
    %eq3A_300 = vector.broadcast %broadcast_in_dim3A_299 : vector<256x1xf32> to vector<256x1024xf32>
    %eq3A_301 = arith.cmpf oeq, %select_n3A_296, %eq3A_300 : vector<256x1024xf32>
    %jit3A_302 = arith.constant 2.048000e+03 : f32
    %broadcast_in_dim3A_303 = vector.broadcast %jit3A_302 : f32 to vector<256x1024xf32>
    %select_n3A_304 = arith.select %eq3A_301, %convert_element_type3A_35, %broadcast_in_dim3A_303 : vector<256x1024xi1>, vector<256x1024xf32>
    %reduce_min3A_305 = arith.constant dense<0x7F800000> : vector<256xf32>
    %reduce_min3A_306 = vector.multi_reduction <minimumf>, %select_n3A_304, %reduce_min3A_305 [1] : vector<256x1024xf32> to vector<256xf32>
    %broadcast_in_dim3A_307 = vector.shape_cast %reduce_min3A_306 : vector<256xf32> to vector<256x1xf32>
    %concatenate3A_308 = tpu.concatenate %broadcast_in_dim3A, %broadcast_in_dim3A_75, %broadcast_in_dim3A_91, %broadcast_in_dim3A_107, %broadcast_in_dim3A_123, %broadcast_in_dim3A_139, %broadcast_in_dim3A_155, %broadcast_in_dim3A_171, %broadcast_in_dim3A_187, %broadcast_in_dim3A_203, %broadcast_in_dim3A_219, %broadcast_in_dim3A_235, %broadcast_in_dim3A_251, %broadcast_in_dim3A_267, %broadcast_in_dim3A_283, %broadcast_in_dim3A_299 in 1 : vector<256x1xf32>, vector<256x1xf32>, vector<256x1xf32>, vector<256x1xf32>, vector<256x1xf32>, vector<256x1xf32>, vector<256x1xf32>, vector<256x1xf32>, vector<256x1xf32>, vector<256x1xf32>, vector<256x1xf32>, vector<256x1xf32>, vector<256x1xf32>, vector<256x1xf32>, vector<256x1xf32>, vector<256x1xf32> -> vector<256x16xf32>
    %swap3A_309 = arith.constant 0 : index
    %swap3A_310 = arith.constant 0 : index
    %swap3A_311 = arith.constant 0 : index
    %swap3A_312 = arith.constant 0 : index
    %swap3A_313 = vector.load %arg5[%swap3A_309, %swap3A_310, %swap3A_311, %swap3A_312] : memref<1x1x256x16xf32, #tpu.memory_space<vmem>>, vector<1x1x256x16xf32>
    %swap3A_314 = vector.shape_cast %swap3A_313 : vector<1x1x256x16xf32> to vector<256x16xf32>
    %swap3A_315 = vector.shape_cast %concatenate3A_308 : vector<256x16xf32> to vector<1x1x256x16xf32>
    tpu.vector_store %arg5[%swap3A_309, %swap3A_310, %swap3A_311, %swap3A_312], %swap3A_315 {strides = array<i32>} : memref<1x1x256x16xf32, #tpu.memory_space<vmem>>, vector<1x1x256x16xf32>,
    %concatenate3A_316 = tpu.concatenate %broadcast_in_dim3A_42, %broadcast_in_dim3A_83, %broadcast_in_dim3A_99, %broadcast_in_dim3A_115, %broadcast_in_dim3A_131, %broadcast_in_dim3A_147, %broadcast_in_dim3A_163, %broadcast_in_dim3A_179, %broadcast_in_dim3A_195, %broadcast_in_dim3A_211, %broadcast_in_dim3A_227, %broadcast_in_dim3A_243, %broadcast_in_dim3A_259, %broadcast_in_dim3A_275, %broadcast_in_dim3A_291, %broadcast_in_dim3A_307 in 1 : vector<256x1xf32>, vector<256x1xf32>, vector<256x1xf32>, vector<256x1xf32>, vector<256x1xf32>, vector<256x1xf32>, vector<256x1xf32>, vector<256x1xf32>, vector<256x1xf32>, vector<256x1xf32>, vector<256x1xf32>, vector<256x1xf32>, vector<256x1xf32>, vector<256x1xf32>, vector<256x1xf32>, vector<256x1xf32> -> vector<256x16xf32>
    %convert_element_type3A_317 = arith.fptosi %concatenate3A_316 : vector<256x16xf32> to vector<256x16xi32>
    %swap3A_318 = arith.constant 0 : index
    %swap3A_319 = arith.constant 0 : index
    %swap3A_320 = arith.constant 0 : index
    %swap3A_321 = arith.constant 0 : index
    %swap3A_322 = vector.load %arg6[%swap3A_318, %swap3A_319, %swap3A_320, %swap3A_321] : memref<1x1x256x16xi32, #tpu.memory_space<vmem>>, vector<1x1x256x16xi32>
    %swap3A_323 = vector.shape_cast %swap3A_322 : vector<1x1x256x16xi32> to vector<256x16xi32>
    %swap3A_324 = vector.shape_cast %convert_element_type3A_317 : vector<256x16xi32> to vector<1x1x256x16xi32>
    tpu.vector_store %arg6[%swap3A_318, %swap3A_319, %swap3A_320, %swap3A_321], %swap3A_324 {strides = array<i32>} : memref<1x1x256x16xi32, #tpu.memory_space<vmem>>, vector<1x1x256x16xi32>,
    return
  }
  func.func @transform_0(%arg0: i32, %arg1: i32, %arg2: i32) -> (i32, i32, i32, i32) {
    %c0_i32 = arith.constant 0 : i32
    %c0_i32_0 = arith.constant 0 : i32
    %c0_i32_1 = arith.constant 0 : i32
    return %arg0, %arg2, %c0_i32, %c0_i32_0 : i32, i32, i32, i32
  }
  func.func @transform_1(%arg0: i32, %arg1: i32, %arg2: i32) -> (i32, i32, i32) {
    %c0_i32 = arith.constant 0 : i32
    %c0_i32_0 = arith.constant 0 : i32
    return %arg0, %arg1, %c0_i32 : i32, i32, i32
  }
  func.func @transform_2(%arg0: i32, %arg1: i32, %arg2: i32) -> (i32, i32, i32, i32) {
    %c0_i32 = arith.constant 0 : i32
    %c0_i32_0 = arith.constant 0 : i32
    return %arg0, %arg2, %arg1, %c0_i32 : i32, i32, i32, i32
  }
  func.func @transform_3(%arg0: i32, %arg1: i32, %arg2: i32) -> (i32, i32, i32, i32) {
    %c0_i32 = arith.constant 0 : i32
    %c0_i32_0 = arith.constant 0 : i32
    return %arg0, %arg2, %arg1, %c0_i32 : i32, i32, i32, i32
  }
  func.func @transform_4(%arg0: i32, %arg1: i32, %arg2: i32) -> (i32, i32, i32, i32) {
    %c0_i32 = arith.constant 0 : i32
    %c0_i32_0 = arith.constant 0 : i32
    return %arg0, %arg2, %arg1, %c0_i32 : i32, i32, i32, i32
  }
}

module attributes {stable_mosaic.version = 14 : i64} {
  func.func @_knn_body(%arg0: i32, %arg1: i32, %arg2: i32, %arg3: memref<1x1x3x1024xf32, #tpu.memory_space<vmem>>, %arg4: memref<1x256x3xf32, #tpu.memory_space<vmem>>, %arg5: memref<1x1x256x16xf32, #tpu.memory_space<vmem>>, %arg6: memref<1x1x256x16xi32, #tpu.memory_space<vmem>>, %arg7: memref<1x1x256x3xf32, #tpu.memory_space<vmem>>, %arg8: memref<256x3xf32, #tpu.memory_space<vmem>>) attributes {dimension_semantics = [#tpu.dimension_semantics<arbitrary>, #tpu.dimension_semantics<arbitrary>, #tpu.dimension_semantics<arbitrary>], iteration_bounds = array<i64: 16, 2, 8>, scalar_prefetch = 0 : i64, scratch_operands = 1 : i64, tpu.core_type = #tpu.core_type<tc>, window_params = [{transform_indices = @transform_0, window_bounds = array<i64: 1, 1, 3, 1024>}, {transform_indices = @transform_1, window_bounds = array<i64: 1, 256, 3>}, {transform_indices = @transform_2, window_bounds = array<i64: 1, 1, 256, 16>}, {transform_indices = @transform_3, window_bounds = array<i64: 1, 1, 256, 16>}, {transform_indices = @transform_4, window_bounds = array<i64: 1, 1, 256, 3>}]} {
    %eq3A = arith.constant 0 : i32
    %eq3A_0 = arith.cmpi eq, %arg2, %eq3A : i32
    %convert_element_type3A = arith.extui %eq3A_0 : i1 to i32
    %cond3A = arith.constant 0 : i32
    %cond3A_1 = arith.cmpi ne, %convert_element_type3A, %cond3A : i32
    scf.if %cond3A_1 {
      %get3A_325 = arith.constant 0 : index
      %get3A_326 = arith.constant 0 : index
      %get3A_327 = arith.constant 0 : index
      %get3A_328 = vector.load %arg4[%get3A_325, %get3A_326, %get3A_327] : memref<1x256x3xf32, #tpu.memory_space<vmem>>, vector<1x256x3xf32>
      %reshape3A = vector.shape_cast %get3A_328 : vector<1x256x3xf32> to vector<256x3xf32>
      %swap3A_329 = arith.constant 0 : index
      %swap3A_330 = arith.constant 0 : index
      %swap3A_331 = vector.load %arg8[%swap3A_329, %swap3A_330] : memref<256x3xf32, #tpu.memory_space<vmem>>, vector<256x3xf32>
      tpu.vector_store %arg8[%swap3A_329, %swap3A_330], %reshape3A {strides = array<i32>} : memref<256x3xf32, #tpu.memory_space<vmem>>, vector<256x3xf32>,
    } else {
    }
    %get3A = arith.constant 0 : index
    %get3A_2 = arith.constant 0 : index
    %get3A_3 = vector.load %arg8[%get3A, %get3A_2] : memref<256x3xf32, #tpu.memory_space<vmem>>, vector<256x3xf32>
    %slice3A = vector.extract_strided_slice %get3A_3 {offsets = [0, 0], sizes = [256, 1], strides = [1, 1]} : vector<256x3xf32> to vector<256x1xf32>
    %slice3A_4 = vector.extract_strided_slice %get3A_3 {offsets = [0, 1], sizes = [256, 1], strides = [1, 1]} : vector<256x3xf32> to vector<256x1xf32>
    %slice3A_5 = vector.extract_strided_slice %get3A_3 {offsets = [0, 2], sizes = [256, 1], strides = [1, 1]} : vector<256x3xf32> to vector<256x1xf32>
    %get3A_6 = arith.constant 0 : index
    %get3A_7 = arith.constant 0 : index
    %get3A_8 = arith.constant 0 : index
    %get3A_9 = arith.constant 0 : index
    %get3A_10 = vector.load %arg3[%get3A_6, %get3A_7, %get3A_8, %get3A_9] : memref<1x1x3x1024xf32, #tpu.memory_space<vmem>>, vector<1x1x1x1024xf32>
    %get3A_11 = vector.shape_cast %get3A_10 : vector<1x1x1x1024xf32> to vector<1x1024xf32>
    %get3A_12 = arith.constant 0 : index
    %get3A_13 = arith.constant 0 : index
    %get3A_14 = arith.constant 1 : index
    %get3A_15 = arith.constant 0 : index
    %get3A_16 = vector.load %arg3[%get3A_12, %get3A_13, %get3A_14, %get3A_15] : memref<1x1x3x1024xf32, #tpu.memory_space<vmem>>, vector<1x1x1x1024xf32>
    %get3A_17 = vector.shape_cast %get3A_16 : vector<1x1x1x1024xf32> to vector<1x1024xf32>
    %get3A_18 = arith.constant 0 : index
    %get3A_19 = arith.constant 0 : index
    %get3A_20 = arith.constant 2 : index
    %get3A_21 = arith.constant 0 : index
    %get3A_22 = vector.load %arg3[%get3A_18, %get3A_19, %get3A_20, %get3A_21] : memref<1x1x3x1024xf32, #tpu.memory_space<vmem>>, vector<1x1x1x1024xf32>
    %get3A_23 = vector.shape_cast %get3A_22 : vector<1x1x1x1024xf32> to vector<1x1024xf32>
    %sub3A = vector.broadcast %slice3A : vector<256x1xf32> to vector<256x1024xf32>
    %sub3A_24 = vector.broadcast %get3A_11 : vector<1x1024xf32> to vector<256x1024xf32>
    %sub3A_25 = arith.subf %sub3A, %sub3A_24 : vector<256x1024xf32>
    %sub3A_26 = vector.broadcast %slice3A_4 : vector<256x1xf32> to vector<256x1024xf32>
    %sub3A_27 = vector.broadcast %get3A_17 : vector<1x1024xf32> to vector<256x1024xf32>
    %sub3A_28 = arith.subf %sub3A_26, %sub3A_27 : vector<256x1024xf32>
    %sub3A_29 = vector.broadcast %slice3A_5 : vector<256x1xf32> to vector<256x1024xf32>
    %sub3A_30 = vector.broadcast %get3A_23 : vector<1x1024xf32> to vector<256x1024xf32>
    %sub3A_31 = arith.subf %sub3A_29, %sub3A_30 : vector<256x1024xf32>
    %mul3A = arith.mulf %sub3A_25, %sub3A_25 : vector<256x1024xf32>
    %mul3A_32 = arith.mulf %sub3A_28, %sub3A_28 : vector<256x1024xf32>
    %add3A = arith.addf %mul3A, %mul3A_32 : vector<256x1024xf32>
    %mul3A_33 = arith.mulf %sub3A_31, %sub3A_31 : vector<256x1024xf32>
    %add3A_34 = arith.addf %add3A, %mul3A_33 : vector<256x1024xf32>
    %iota3A = tpu.iota {dimensions = array<i32: 1>} : vector<256x1024xi32>
    %convert_element_type3A_35 = arith.sitofp %iota3A : vector<256x1024xi32> to vector<256x1024xf32>
    %reduce_min3A = arith.constant dense<0x7F800000> : vector<256xf32>
    %reduce_min3A_36 = vector.multi_reduction <minimumf>, %add3A_34, %reduce_min3A [1] : vector<256x1024xf32> to vector<256xf32>
    %broadcast_in_dim3A = vector.shape_cast %reduce_min3A_36 : vector<256xf32> to vector<256x1xf32>
    %eq3A_37 = vector.broadcast %broadcast_in_dim3A : vector<256x1xf32> to vector<256x1024xf32>
    %eq3A_38 = arith.cmpf oeq, %add3A_34, %eq3A_37 : vector<256x1024xf32>
    %jit3A = arith.constant 2.048000e+03 : f32
    %broadcast_in_dim3A_39 = vector.broadcast %jit3A : f32 to vector<256x1024xf32>
    %select_n3A = arith.select %eq3A_38, %convert_element_type3A_35, %broadcast_in_dim3A_39 : vector<256x1024xi1>, vector<256x1024xf32>
    %reduce_min3A_40 = arith.constant dense<0x7F800000> : vector<256xf32>
    %reduce_min3A_41 = vector.multi_reduction <minimumf>, %select_n3A, %reduce_min3A_40 [1] : vector<256x1024xf32> to vector<256xf32>
    %broadcast_in_dim3A_42 = vector.shape_cast %reduce_min3A_41 : vector<256xf32> to vector<256x1xf32>
    %eq3A_43 = vector.broadcast %broadcast_in_dim3A_42 : vector<256x1xf32> to vector<256x1024xf32>
    %eq3A_44 = arith.cmpf oeq, %convert_element_type3A_35, %eq3A_43 : vector<256x1024xf32>
    %convert_element_type3A_45 = arith.extui %eq3A_44 : vector<256x1024xi1> to vector<256x1024xi32>
    %convert_element_type3A_46 = arith.sitofp %convert_element_type3A_45 : vector<256x1024xi32> to vector<256x1024xf32>
    %mul3A_47 = vector.broadcast %get3A_11 : vector<1x1024xf32> to vector<256x1024xf32>
    %mul3A_48 = arith.mulf %convert_element_type3A_46, %mul3A_47 : vector<256x1024xf32>
    %reduce_sum3A = arith.constant dense<0.000000e+00> : vector<256xf32>
    %reduce_sum3A_49 = vector.multi_reduction <add>, %mul3A_48, %reduce_sum3A [1] : vector<256x1024xf32> to vector<256xf32>
    %broadcast_in_dim3A_50 = vector.shape_cast %reduce_sum3A_49 : vector<256xf32> to vector<256x1xf32>
    %mul3A_51 = vector.broadcast %get3A_17 : vector<1x1024xf32> to vector<256x1024xf32>
    %mul3A_52 = arith.mulf %convert_element_type3A_46, %mul3A_51 : vector<256x1024xf32>
    %reduce_sum3A_53 = arith.constant dense<0.000000e+00> : vector<256xf32>
    %reduce_sum3A_54 = vector.multi_reduction <add>, %mul3A_52, %reduce_sum3A_53 [1] : vector<256x1024xf32> to vector<256xf32>
    %broadcast_in_dim3A_55 = vector.shape_cast %reduce_sum3A_54 : vector<256xf32> to vector<256x1xf32>
    %mul3A_56 = vector.broadcast %get3A_23 : vector<1x1024xf32> to vector<256x1024xf32>
    %mul3A_57 = arith.mulf %convert_element_type3A_46, %mul3A_56 : vector<256x1024xf32>
    %reduce_sum3A_58 = arith.constant dense<0.000000e+00> : vector<256xf32>
    %reduce_sum3A_59 = vector.multi_reduction <add>, %mul3A_57, %reduce_sum3A_58 [1] : vector<256x1024xf32> to vector<256xf32>
    %broadcast_in_dim3A_60 = vector.shape_cast %reduce_sum3A_59 : vector<256xf32> to vector<256x1xf32>
    %concatenate3A = tpu.concatenate %broadcast_in_dim3A_50, %broadcast_in_dim3A_55, %broadcast_in_dim3A_60 in 1 : vector<256x1xf32>, vector<256x1xf32>, vector<256x1xf32> -> vector<256x3xf32>
    %swap3A = arith.constant 0 : index
    %swap3A_61 = arith.constant 0 : index
    %swap3A_62 = vector.load %arg8[%swap3A, %swap3A_61] : memref<256x3xf32, #tpu.memory_space<vmem>>, vector<256x3xf32>
    tpu.vector_store %arg8[%swap3A, %swap3A_61], %concatenate3A {strides = array<i32>} : memref<256x3xf32, #tpu.memory_space<vmem>>, vector<256x3xf32>,
    %swap3A_63 = arith.constant 0 : index
    %swap3A_64 = arith.constant 0 : index
    %swap3A_65 = arith.constant 0 : index
    %swap3A_66 = arith.constant 0 : index
    %swap3A_67 = vector.load %arg7[%swap3A_63, %swap3A_64, %swap3A_65, %swap3A_66] : memref<1x1x256x3xf32, #tpu.memory_space<vmem>>, vector<1x1x256x3xf32>
    %swap3A_68 = vector.shape_cast %swap3A_67 : vector<1x1x256x3xf32> to vector<256x3xf32>
    %swap3A_69 = vector.shape_cast %concatenate3A : vector<256x3xf32> to vector<1x1x256x3xf32>
    tpu.vector_store %arg7[%swap3A_63, %swap3A_64, %swap3A_65, %swap3A_66], %swap3A_69 {strides = array<i32>} : memref<1x1x256x3xf32, #tpu.memory_space<vmem>>, vector<1x1x256x3xf32>,
    %jit3A_70 = arith.constant 0x7F800000 : f32
    %broadcast_in_dim3A_71 = vector.broadcast %jit3A_70 : f32 to vector<256x1024xf32>
    %select_n3A_72 = arith.select %eq3A_44, %broadcast_in_dim3A_71, %add3A_34 : vector<256x1024xi1>, vector<256x1024xf32>
    %reduce_min3A_73 = arith.constant dense<0x7F800000> : vector<256xf32>
    %reduce_min3A_74 = vector.multi_reduction <minimumf>, %select_n3A_72, %reduce_min3A_73 [1] : vector<256x1024xf32> to vector<256xf32>
    %broadcast_in_dim3A_75 = vector.shape_cast %reduce_min3A_74 : vector<256xf32> to vector<256x1xf32>
    %eq3A_76 = vector.broadcast %broadcast_in_dim3A_75 : vector<256x1xf32> to vector<256x1024xf32>
    %eq3A_77 = arith.cmpf oeq, %select_n3A_72, %eq3A_76 : vector<256x1024xf32>
    %jit3A_78 = arith.constant 2.048000e+03 : f32
    %broadcast_in_dim3A_79 = vector.broadcast %jit3A_78 : f32 to vector<256x1024xf32>
    %select_n3A_80 = arith.select %eq3A_77, %convert_element_type3A_35, %broadcast_in_dim3A_79 : vector<256x1024xi1>, vector<256x1024xf32>
    %reduce_min3A_81 = arith.constant dense<0x7F800000> : vector<256xf32>
    %reduce_min3A_82 = vector.multi_reduction <minimumf>, %select_n3A_80, %reduce_min3A_81 [1] : vector<256x1024xf32> to vector<256xf32>
    %broadcast_in_dim3A_83 = vector.shape_cast %reduce_min3A_82 : vector<256xf32> to vector<256x1xf32>
    %eq3A_84 = vector.broadcast %broadcast_in_dim3A_83 : vector<256x1xf32> to vector<256x1024xf32>
    %eq3A_85 = arith.cmpf oeq, %convert_element_type3A_35, %eq3A_84 : vector<256x1024xf32>
    %jit3A_86 = arith.constant 0x7F800000 : f32
    %broadcast_in_dim3A_87 = vector.broadcast %jit3A_86 : f32 to vector<256x1024xf32>
    %select_n3A_88 = arith.select %eq3A_85, %broadcast_in_dim3A_87, %select_n3A_72 : vector<256x1024xi1>, vector<256x1024xf32>
    %reduce_min3A_89 = arith.constant dense<0x7F800000> : vector<256xf32>
    %reduce_min3A_90 = vector.multi_reduction <minimumf>, %select_n3A_88, %reduce_min3A_89 [1] : vector<256x1024xf32> to vector<256xf32>
    %broadcast_in_dim3A_91 = vector.shape_cast %reduce_min3A_90 : vector<256xf32> to vector<256x1xf32>
    %eq3A_92 = vector.broadcast %broadcast_in_dim3A_91 : vector<256x1xf32> to vector<256x1024xf32>
    %eq3A_93 = arith.cmpf oeq, %select_n3A_88, %eq3A_92 : vector<256x1024xf32>
    %jit3A_94 = arith.constant 2.048000e+03 : f32
    %broadcast_in_dim3A_95 = vector.broadcast %jit3A_94 : f32 to vector<256x1024xf32>
    %select_n3A_96 = arith.select %eq3A_93, %convert_element_type3A_35, %broadcast_in_dim3A_95 : vector<256x1024xi1>, vector<256x1024xf32>
    %reduce_min3A_97 = arith.constant dense<0x7F800000> : vector<256xf32>
    %reduce_min3A_98 = vector.multi_reduction <minimumf>, %select_n3A_96, %reduce_min3A_97 [1] : vector<256x1024xf32> to vector<256xf32>
    %broadcast_in_dim3A_99 = vector.shape_cast %reduce_min3A_98 : vector<256xf32> to vector<256x1xf32>
    %eq3A_100 = vector.broadcast %broadcast_in_dim3A_99 : vector<256x1xf32> to vector<256x1024xf32>
    %eq3A_101 = arith.cmpf oeq, %convert_element_type3A_35, %eq3A_100 : vector<256x1024xf32>
    %jit3A_102 = arith.constant 0x7F800000 : f32
    %broadcast_in_dim3A_103 = vector.broadcast %jit3A_102 : f32 to vector<256x1024xf32>
    %select_n3A_104 = arith.select %eq3A_101, %broadcast_in_dim3A_103, %select_n3A_88 : vector<256x1024xi1>, vector<256x1024xf32>
    %reduce_min3A_105 = arith.constant dense<0x7F800000> : vector<256xf32>
    %reduce_min3A_106 = vector.multi_reduction <minimumf>, %select_n3A_104, %reduce_min3A_105 [1] : vector<256x1024xf32> to vector<256xf32>
    %broadcast_in_dim3A_107 = vector.shape_cast %reduce_min3A_106 : vector<256xf32> to vector<256x1xf32>
    %eq3A_108 = vector.broadcast %broadcast_in_dim3A_107 : vector<256x1xf32> to vector<256x1024xf32>
    %eq3A_109 = arith.cmpf oeq, %select_n3A_104, %eq3A_108 : vector<256x1024xf32>
    %jit3A_110 = arith.constant 2.048000e+03 : f32
    %broadcast_in_dim3A_111 = vector.broadcast %jit3A_110 : f32 to vector<256x1024xf32>
    %select_n3A_112 = arith.select %eq3A_109, %convert_element_type3A_35, %broadcast_in_dim3A_111 : vector<256x1024xi1>, vector<256x1024xf32>
    %reduce_min3A_113 = arith.constant dense<0x7F800000> : vector<256xf32>
    %reduce_min3A_114 = vector.multi_reduction <minimumf>, %select_n3A_112, %reduce_min3A_113 [1] : vector<256x1024xf32> to vector<256xf32>
    %broadcast_in_dim3A_115 = vector.shape_cast %reduce_min3A_114 : vector<256xf32> to vector<256x1xf32>
    %eq3A_116 = vector.broadcast %broadcast_in_dim3A_115 : vector<256x1xf32> to vector<256x1024xf32>
    %eq3A_117 = arith.cmpf oeq, %convert_element_type3A_35, %eq3A_116 : vector<256x1024xf32>
    %jit3A_118 = arith.constant 0x7F800000 : f32
    %broadcast_in_dim3A_119 = vector.broadcast %jit3A_118 : f32 to vector<256x1024xf32>
    %select_n3A_120 = arith.select %eq3A_117, %broadcast_in_dim3A_119, %select_n3A_104 : vector<256x1024xi1>, vector<256x1024xf32>
    %reduce_min3A_121 = arith.constant dense<0x7F800000> : vector<256xf32>
    %reduce_min3A_122 = vector.multi_reduction <minimumf>, %select_n3A_120, %reduce_min3A_121 [1] : vector<256x1024xf32> to vector<256xf32>
    %broadcast_in_dim3A_123 = vector.shape_cast %reduce_min3A_122 : vector<256xf32> to vector<256x1xf32>
    %eq3A_124 = vector.broadcast %broadcast_in_dim3A_123 : vector<256x1xf32> to vector<256x1024xf32>
    %eq3A_125 = arith.cmpf oeq, %select_n3A_120, %eq3A_124 : vector<256x1024xf32>
    %jit3A_126 = arith.constant 2.048000e+03 : f32
    %broadcast_in_dim3A_127 = vector.broadcast %jit3A_126 : f32 to vector<256x1024xf32>
    %select_n3A_128 = arith.select %eq3A_125, %convert_element_type3A_35, %broadcast_in_dim3A_127 : vector<256x1024xi1>, vector<256x1024xf32>
    %reduce_min3A_129 = arith.constant dense<0x7F800000> : vector<256xf32>
    %reduce_min3A_130 = vector.multi_reduction <minimumf>, %select_n3A_128, %reduce_min3A_129 [1] : vector<256x1024xf32> to vector<256xf32>
    %broadcast_in_dim3A_131 = vector.shape_cast %reduce_min3A_130 : vector<256xf32> to vector<256x1xf32>
    %eq3A_132 = vector.broadcast %broadcast_in_dim3A_131 : vector<256x1xf32> to vector<256x1024xf32>
    %eq3A_133 = arith.cmpf oeq, %convert_element_type3A_35, %eq3A_132 : vector<256x1024xf32>
    %jit3A_134 = arith.constant 0x7F800000 : f32
    %broadcast_in_dim3A_135 = vector.broadcast %jit3A_134 : f32 to vector<256x1024xf32>
    %select_n3A_136 = arith.select %eq3A_133, %broadcast_in_dim3A_135, %select_n3A_120 : vector<256x1024xi1>, vector<256x1024xf32>
    %reduce_min3A_137 = arith.constant dense<0x7F800000> : vector<256xf32>
    %reduce_min3A_138 = vector.multi_reduction <minimumf>, %select_n3A_136, %reduce_min3A_137 [1] : vector<256x1024xf32> to vector<256xf32>
    %broadcast_in_dim3A_139 = vector.shape_cast %reduce_min3A_138 : vector<256xf32> to vector<256x1xf32>
    %eq3A_140 = vector.broadcast %broadcast_in_dim3A_139 : vector<256x1xf32> to vector<256x1024xf32>
    %eq3A_141 = arith.cmpf oeq, %select_n3A_136, %eq3A_140 : vector<256x1024xf32>
    %jit3A_142 = arith.constant 2.048000e+03 : f32
    %broadcast_in_dim3A_143 = vector.broadcast %jit3A_142 : f32 to vector<256x1024xf32>
    %select_n3A_144 = arith.select %eq3A_141, %convert_element_type3A_35, %broadcast_in_dim3A_143 : vector<256x1024xi1>, vector<256x1024xf32>
    %reduce_min3A_145 = arith.constant dense<0x7F800000> : vector<256xf32>
    %reduce_min3A_146 = vector.multi_reduction <minimumf>, %select_n3A_144, %reduce_min3A_145 [1] : vector<256x1024xf32> to vector<256xf32>
    %broadcast_in_dim3A_147 = vector.shape_cast %reduce_min3A_146 : vector<256xf32> to vector<256x1xf32>
    %eq3A_148 = vector.broadcast %broadcast_in_dim3A_147 : vector<256x1xf32> to vector<256x1024xf32>
    %eq3A_149 = arith.cmpf oeq, %convert_element_type3A_35, %eq3A_148 : vector<256x1024xf32>
    %jit3A_150 = arith.constant 0x7F800000 : f32
    %broadcast_in_dim3A_151 = vector.broadcast %jit3A_150 : f32 to vector<256x1024xf32>
    %select_n3A_152 = arith.select %eq3A_149, %broadcast_in_dim3A_151, %select_n3A_136 : vector<256x1024xi1>, vector<256x1024xf32>
    %reduce_min3A_153 = arith.constant dense<0x7F800000> : vector<256xf32>
    %reduce_min3A_154 = vector.multi_reduction <minimumf>, %select_n3A_152, %reduce_min3A_153 [1] : vector<256x1024xf32> to vector<256xf32>
    %broadcast_in_dim3A_155 = vector.shape_cast %reduce_min3A_154 : vector<256xf32> to vector<256x1xf32>
    %eq3A_156 = vector.broadcast %broadcast_in_dim3A_155 : vector<256x1xf32> to vector<256x1024xf32>
    %eq3A_157 = arith.cmpf oeq, %select_n3A_152, %eq3A_156 : vector<256x1024xf32>
    %jit3A_158 = arith.constant 2.048000e+03 : f32
    %broadcast_in_dim3A_159 = vector.broadcast %jit3A_158 : f32 to vector<256x1024xf32>
    %select_n3A_160 = arith.select %eq3A_157, %convert_element_type3A_35, %broadcast_in_dim3A_159 : vector<256x1024xi1>, vector<256x1024xf32>
    %reduce_min3A_161 = arith.constant dense<0x7F800000> : vector<256xf32>
    %reduce_min3A_162 = vector.multi_reduction <minimumf>, %select_n3A_160, %reduce_min3A_161 [1] : vector<256x1024xf32> to vector<256xf32>
    %broadcast_in_dim3A_163 = vector.shape_cast %reduce_min3A_162 : vector<256xf32> to vector<256x1xf32>
    %eq3A_164 = vector.broadcast %broadcast_in_dim3A_163 : vector<256x1xf32> to vector<256x1024xf32>
    %eq3A_165 = arith.cmpf oeq, %convert_element_type3A_35, %eq3A_164 : vector<256x1024xf32>
    %jit3A_166 = arith.constant 0x7F800000 : f32
    %broadcast_in_dim3A_167 = vector.broadcast %jit3A_166 : f32 to vector<256x1024xf32>
    %select_n3A_168 = arith.select %eq3A_165, %broadcast_in_dim3A_167, %select_n3A_152 : vector<256x1024xi1>, vector<256x1024xf32>
    %reduce_min3A_169 = arith.constant dense<0x7F800000> : vector<256xf32>
    %reduce_min3A_170 = vector.multi_reduction <minimumf>, %select_n3A_168, %reduce_min3A_169 [1] : vector<256x1024xf32> to vector<256xf32>
    %broadcast_in_dim3A_171 = vector.shape_cast %reduce_min3A_170 : vector<256xf32> to vector<256x1xf32>
    %eq3A_172 = vector.broadcast %broadcast_in_dim3A_171 : vector<256x1xf32> to vector<256x1024xf32>
    %eq3A_173 = arith.cmpf oeq, %select_n3A_168, %eq3A_172 : vector<256x1024xf32>
    %jit3A_174 = arith.constant 2.048000e+03 : f32
    %broadcast_in_dim3A_175 = vector.broadcast %jit3A_174 : f32 to vector<256x1024xf32>
    %select_n3A_176 = arith.select %eq3A_173, %convert_element_type3A_35, %broadcast_in_dim3A_175 : vector<256x1024xi1>, vector<256x1024xf32>
    %reduce_min3A_177 = arith.constant dense<0x7F800000> : vector<256xf32>
    %reduce_min3A_178 = vector.multi_reduction <minimumf>, %select_n3A_176, %reduce_min3A_177 [1] : vector<256x1024xf32> to vector<256xf32>
    %broadcast_in_dim3A_179 = vector.shape_cast %reduce_min3A_178 : vector<256xf32> to vector<256x1xf32>
    %eq3A_180 = vector.broadcast %broadcast_in_dim3A_179 : vector<256x1xf32> to vector<256x1024xf32>
    %eq3A_181 = arith.cmpf oeq, %convert_element_type3A_35, %eq3A_180 : vector<256x1024xf32>
    %jit3A_182 = arith.constant 0x7F800000 : f32
    %broadcast_in_dim3A_183 = vector.broadcast %jit3A_182 : f32 to vector<256x1024xf32>
    %select_n3A_184 = arith.select %eq3A_181, %broadcast_in_dim3A_183, %select_n3A_168 : vector<256x1024xi1>, vector<256x1024xf32>
    %reduce_min3A_185 = arith.constant dense<0x7F800000> : vector<256xf32>
    %reduce_min3A_186 = vector.multi_reduction <minimumf>, %select_n3A_184, %reduce_min3A_185 [1] : vector<256x1024xf32> to vector<256xf32>
    %broadcast_in_dim3A_187 = vector.shape_cast %reduce_min3A_186 : vector<256xf32> to vector<256x1xf32>
    %eq3A_188 = vector.broadcast %broadcast_in_dim3A_187 : vector<256x1xf32> to vector<256x1024xf32>
    %eq3A_189 = arith.cmpf oeq, %select_n3A_184, %eq3A_188 : vector<256x1024xf32>
    %jit3A_190 = arith.constant 2.048000e+03 : f32
    %broadcast_in_dim3A_191 = vector.broadcast %jit3A_190 : f32 to vector<256x1024xf32>
    %select_n3A_192 = arith.select %eq3A_189, %convert_element_type3A_35, %broadcast_in_dim3A_191 : vector<256x1024xi1>, vector<256x1024xf32>
    %reduce_min3A_193 = arith.constant dense<0x7F800000> : vector<256xf32>
    %reduce_min3A_194 = vector.multi_reduction <minimumf>, %select_n3A_192, %reduce_min3A_193 [1] : vector<256x1024xf32> to vector<256xf32>
    %broadcast_in_dim3A_195 = vector.shape_cast %reduce_min3A_194 : vector<256xf32> to vector<256x1xf32>
    %eq3A_196 = vector.broadcast %broadcast_in_dim3A_195 : vector<256x1xf32> to vector<256x1024xf32>
    %eq3A_197 = arith.cmpf oeq, %convert_element_type3A_35, %eq3A_196 : vector<256x1024xf32>
    %jit3A_198 = arith.constant 0x7F800000 : f32
    %broadcast_in_dim3A_199 = vector.broadcast %jit3A_198 : f32 to vector<256x1024xf32>
    %select_n3A_200 = arith.select %eq3A_197, %broadcast_in_dim3A_199, %select_n3A_184 : vector<256x1024xi1>, vector<256x1024xf32>
    %reduce_min3A_201 = arith.constant dense<0x7F800000> : vector<256xf32>
    %reduce_min3A_202 = vector.multi_reduction <minimumf>, %select_n3A_200, %reduce_min3A_201 [1] : vector<256x1024xf32> to vector<256xf32>
    %broadcast_in_dim3A_203 = vector.shape_cast %reduce_min3A_202 : vector<256xf32> to vector<256x1xf32>
    %eq3A_204 = vector.broadcast %broadcast_in_dim3A_203 : vector<256x1xf32> to vector<256x1024xf32>
    %eq3A_205 = arith.cmpf oeq, %select_n3A_200, %eq3A_204 : vector<256x1024xf32>
    %jit3A_206 = arith.constant 2.048000e+03 : f32
    %broadcast_in_dim3A_207 = vector.broadcast %jit3A_206 : f32 to vector<256x1024xf32>
    %select_n3A_208 = arith.select %eq3A_205, %convert_element_type3A_35, %broadcast_in_dim3A_207 : vector<256x1024xi1>, vector<256x1024xf32>
    %reduce_min3A_209 = arith.constant dense<0x7F800000> : vector<256xf32>
    %reduce_min3A_210 = vector.multi_reduction <minimumf>, %select_n3A_208, %reduce_min3A_209 [1] : vector<256x1024xf32> to vector<256xf32>
    %broadcast_in_dim3A_211 = vector.shape_cast %reduce_min3A_210 : vector<256xf32> to vector<256x1xf32>
    %eq3A_212 = vector.broadcast %broadcast_in_dim3A_211 : vector<256x1xf32> to vector<256x1024xf32>
    %eq3A_213 = arith.cmpf oeq, %convert_element_type3A_35, %eq3A_212 : vector<256x1024xf32>
    %jit3A_214 = arith.constant 0x7F800000 : f32
    %broadcast_in_dim3A_215 = vector.broadcast %jit3A_214 : f32 to vector<256x1024xf32>
    %select_n3A_216 = arith.select %eq3A_213, %broadcast_in_dim3A_215, %select_n3A_200 : vector<256x1024xi1>, vector<256x1024xf32>
    %reduce_min3A_217 = arith.constant dense<0x7F800000> : vector<256xf32>
    %reduce_min3A_218 = vector.multi_reduction <minimumf>, %select_n3A_216, %reduce_min3A_217 [1] : vector<256x1024xf32> to vector<256xf32>
    %broadcast_in_dim3A_219 = vector.shape_cast %reduce_min3A_218 : vector<256xf32> to vector<256x1xf32>
    %eq3A_220 = vector.broadcast %broadcast_in_dim3A_219 : vector<256x1xf32> to vector<256x1024xf32>
    %eq3A_221 = arith.cmpf oeq, %select_n3A_216, %eq3A_220 : vector<256x1024xf32>
    %jit3A_222 = arith.constant 2.048000e+03 : f32
    %broadcast_in_dim3A_223 = vector.broadcast %jit3A_222 : f32 to vector<256x1024xf32>
    %select_n3A_224 = arith.select %eq3A_221, %convert_element_type3A_35, %broadcast_in_dim3A_223 : vector<256x1024xi1>, vector<256x1024xf32>
    %reduce_min3A_225 = arith.constant dense<0x7F800000> : vector<256xf32>
    %reduce_min3A_226 = vector.multi_reduction <minimumf>, %select_n3A_224, %reduce_min3A_225 [1] : vector<256x1024xf32> to vector<256xf32>
    %broadcast_in_dim3A_227 = vector.shape_cast %reduce_min3A_226 : vector<256xf32> to vector<256x1xf32>
    %eq3A_228 = vector.broadcast %broadcast_in_dim3A_227 : vector<256x1xf32> to vector<256x1024xf32>
    %eq3A_229 = arith.cmpf oeq, %convert_element_type3A_35, %eq3A_228 : vector<256x1024xf32>
    %jit3A_230 = arith.constant 0x7F800000 : f32
    %broadcast_in_dim3A_231 = vector.broadcast %jit3A_230 : f32 to vector<256x1024xf32>
    %select_n3A_232 = arith.select %eq3A_229, %broadcast_in_dim3A_231, %select_n3A_216 : vector<256x1024xi1>, vector<256x1024xf32>
    %reduce_min3A_233 = arith.constant dense<0x7F800000> : vector<256xf32>
    %reduce_min3A_234 = vector.multi_reduction <minimumf>, %select_n3A_232, %reduce_min3A_233 [1] : vector<256x1024xf32> to vector<256xf32>
    %broadcast_in_dim3A_235 = vector.shape_cast %reduce_min3A_234 : vector<256xf32> to vector<256x1xf32>
    %eq3A_236 = vector.broadcast %broadcast_in_dim3A_235 : vector<256x1xf32> to vector<256x1024xf32>
    %eq3A_237 = arith.cmpf oeq, %select_n3A_232, %eq3A_236 : vector<256x1024xf32>
    %jit3A_238 = arith.constant 2.048000e+03 : f32
    %broadcast_in_dim3A_239 = vector.broadcast %jit3A_238 : f32 to vector<256x1024xf32>
    %select_n3A_240 = arith.select %eq3A_237, %convert_element_type3A_35, %broadcast_in_dim3A_239 : vector<256x1024xi1>, vector<256x1024xf32>
    %reduce_min3A_241 = arith.constant dense<0x7F800000> : vector<256xf32>
    %reduce_min3A_242 = vector.multi_reduction <minimumf>, %select_n3A_240, %reduce_min3A_241 [1] : vector<256x1024xf32> to vector<256xf32>
    %broadcast_in_dim3A_243 = vector.shape_cast %reduce_min3A_242 : vector<256xf32> to vector<256x1xf32>
    %eq3A_244 = vector.broadcast %broadcast_in_dim3A_243 : vector<256x1xf32> to vector<256x1024xf32>
    %eq3A_245 = arith.cmpf oeq, %convert_element_type3A_35, %eq3A_244 : vector<256x1024xf32>
    %jit3A_246 = arith.constant 0x7F800000 : f32
    %broadcast_in_dim3A_247 = vector.broadcast %jit3A_246 : f32 to vector<256x1024xf32>
    %select_n3A_248 = arith.select %eq3A_245, %broadcast_in_dim3A_247, %select_n3A_232 : vector<256x1024xi1>, vector<256x1024xf32>
    %reduce_min3A_249 = arith.constant dense<0x7F800000> : vector<256xf32>
    %reduce_min3A_250 = vector.multi_reduction <minimumf>, %select_n3A_248, %reduce_min3A_249 [1] : vector<256x1024xf32> to vector<256xf32>
    %broadcast_in_dim3A_251 = vector.shape_cast %reduce_min3A_250 : vector<256xf32> to vector<256x1xf32>
    %eq3A_252 = vector.broadcast %broadcast_in_dim3A_251 : vector<256x1xf32> to vector<256x1024xf32>
    %eq3A_253 = arith.cmpf oeq, %select_n3A_248, %eq3A_252 : vector<256x1024xf32>
    %jit3A_254 = arith.constant 2.048000e+03 : f32
    %broadcast_in_dim3A_255 = vector.broadcast %jit3A_254 : f32 to vector<256x1024xf32>
    %select_n3A_256 = arith.select %eq3A_253, %convert_element_type3A_35, %broadcast_in_dim3A_255 : vector<256x1024xi1>, vector<256x1024xf32>
    %reduce_min3A_257 = arith.constant dense<0x7F800000> : vector<256xf32>
    %reduce_min3A_258 = vector.multi_reduction <minimumf>, %select_n3A_256, %reduce_min3A_257 [1] : vector<256x1024xf32> to vector<256xf32>
    %broadcast_in_dim3A_259 = vector.shape_cast %reduce_min3A_258 : vector<256xf32> to vector<256x1xf32>
    %eq3A_260 = vector.broadcast %broadcast_in_dim3A_259 : vector<256x1xf32> to vector<256x1024xf32>
    %eq3A_261 = arith.cmpf oeq, %convert_element_type3A_35, %eq3A_260 : vector<256x1024xf32>
    %jit3A_262 = arith.constant 0x7F800000 : f32
    %broadcast_in_dim3A_263 = vector.broadcast %jit3A_262 : f32 to vector<256x1024xf32>
    %select_n3A_264 = arith.select %eq3A_261, %broadcast_in_dim3A_263, %select_n3A_248 : vector<256x1024xi1>, vector<256x1024xf32>
    %reduce_min3A_265 = arith.constant dense<0x7F800000> : vector<256xf32>
    %reduce_min3A_266 = vector.multi_reduction <minimumf>, %select_n3A_264, %reduce_min3A_265 [1] : vector<256x1024xf32> to vector<256xf32>
    %broadcast_in_dim3A_267 = vector.shape_cast %reduce_min3A_266 : vector<256xf32> to vector<256x1xf32>
    %eq3A_268 = vector.broadcast %broadcast_in_dim3A_267 : vector<256x1xf32> to vector<256x1024xf32>
    %eq3A_269 = arith.cmpf oeq, %select_n3A_264, %eq3A_268 : vector<256x1024xf32>
    %jit3A_270 = arith.constant 2.048000e+03 : f32
    %broadcast_in_dim3A_271 = vector.broadcast %jit3A_270 : f32 to vector<256x1024xf32>
    %select_n3A_272 = arith.select %eq3A_269, %convert_element_type3A_35, %broadcast_in_dim3A_271 : vector<256x1024xi1>, vector<256x1024xf32>
    %reduce_min3A_273 = arith.constant dense<0x7F800000> : vector<256xf32>
    %reduce_min3A_274 = vector.multi_reduction <minimumf>, %select_n3A_272, %reduce_min3A_273 [1] : vector<256x1024xf32> to vector<256xf32>
    %broadcast_in_dim3A_275 = vector.shape_cast %reduce_min3A_274 : vector<256xf32> to vector<256x1xf32>
    %eq3A_276 = vector.broadcast %broadcast_in_dim3A_275 : vector<256x1xf32> to vector<256x1024xf32>
    %eq3A_277 = arith.cmpf oeq, %convert_element_type3A_35, %eq3A_276 : vector<256x1024xf32>
    %jit3A_278 = arith.constant 0x7F800000 : f32
    %broadcast_in_dim3A_279 = vector.broadcast %jit3A_278 : f32 to vector<256x1024xf32>
    %select_n3A_280 = arith.select %eq3A_277, %broadcast_in_dim3A_279, %select_n3A_264 : vector<256x1024xi1>, vector<256x1024xf32>
    %reduce_min3A_281 = arith.constant dense<0x7F800000> : vector<256xf32>
    %reduce_min3A_282 = vector.multi_reduction <minimumf>, %select_n3A_280, %reduce_min3A_281 [1] : vector<256x1024xf32> to vector<256xf32>
    %broadcast_in_dim3A_283 = vector.shape_cast %reduce_min3A_282 : vector<256xf32> to vector<256x1xf32>
    %eq3A_284 = vector.broadcast %broadcast_in_dim3A_283 : vector<256x1xf32> to vector<256x1024xf32>
    %eq3A_285 = arith.cmpf oeq, %select_n3A_280, %eq3A_284 : vector<256x1024xf32>
    %jit3A_286 = arith.constant 2.048000e+03 : f32
    %broadcast_in_dim3A_287 = vector.broadcast %jit3A_286 : f32 to vector<256x1024xf32>
    %select_n3A_288 = arith.select %eq3A_285, %convert_element_type3A_35, %broadcast_in_dim3A_287 : vector<256x1024xi1>, vector<256x1024xf32>
    %reduce_min3A_289 = arith.constant dense<0x7F800000> : vector<256xf32>
    %reduce_min3A_290 = vector.multi_reduction <minimumf>, %select_n3A_288, %reduce_min3A_289 [1] : vector<256x1024xf32> to vector<256xf32>
    %broadcast_in_dim3A_291 = vector.shape_cast %reduce_min3A_290 : vector<256xf32> to vector<256x1xf32>
    %eq3A_292 = vector.broadcast %broadcast_in_dim3A_291 : vector<256x1xf32> to vector<256x1024xf32>
    %eq3A_293 = arith.cmpf oeq, %convert_element_type3A_35, %eq3A_292 : vector<256x1024xf32>
    %jit3A_294 = arith.constant 0x7F800000 : f32
    %broadcast_in_dim3A_295 = vector.broadcast %jit3A_294 : f32 to vector<256x1024xf32>
    %select_n3A_296 = arith.select %eq3A_293, %broadcast_in_dim3A_295, %select_n3A_280 : vector<256x1024xi1>, vector<256x1024xf32>
    %reduce_min3A_297 = arith.constant dense<0x7F800000> : vector<256xf32>
    %reduce_min3A_298 = vector.multi_reduction <minimumf>, %select_n3A_296, %reduce_min3A_297 [1] : vector<256x1024xf32> to vector<256xf32>
    %broadcast_in_dim3A_299 = vector.shape_cast %reduce_min3A_298 : vector<256xf32> to vector<256x1xf32>
    %eq3A_300 = vector.broadcast %broadcast_in_dim3A_299 : vector<256x1xf32> to vector<256x1024xf32>
    %eq3A_301 = arith.cmpf oeq, %select_n3A_296, %eq3A_300 : vector<256x1024xf32>
    %jit3A_302 = arith.constant 2.048000e+03 : f32
    %broadcast_in_dim3A_303 = vector.broadcast %jit3A_302 : f32 to vector<256x1024xf32>
    %select_n3A_304 = arith.select %eq3A_301, %convert_element_type3A_35, %broadcast_in_dim3A_303 : vector<256x1024xi1>, vector<256x1024xf32>
    %reduce_min3A_305 = arith.constant dense<0x7F800000> : vector<256xf32>
    %reduce_min3A_306 = vector.multi_reduction <minimumf>, %select_n3A_304, %reduce_min3A_305 [1] : vector<256x1024xf32> to vector<256xf32>
    %broadcast_in_dim3A_307 = vector.shape_cast %reduce_min3A_306 : vector<256xf32> to vector<256x1xf32>
    %concatenate3A_308 = tpu.concatenate %broadcast_in_dim3A, %broadcast_in_dim3A_75, %broadcast_in_dim3A_91, %broadcast_in_dim3A_107, %broadcast_in_dim3A_123, %broadcast_in_dim3A_139, %broadcast_in_dim3A_155, %broadcast_in_dim3A_171, %broadcast_in_dim3A_187, %broadcast_in_dim3A_203, %broadcast_in_dim3A_219, %broadcast_in_dim3A_235, %broadcast_in_dim3A_251, %broadcast_in_dim3A_267, %broadcast_in_dim3A_283, %broadcast_in_dim3A_299 in 1 : vector<256x1xf32>, vector<256x1xf32>, vector<256x1xf32>, vector<256x1xf32>, vector<256x1xf32>, vector<256x1xf32>, vector<256x1xf32>, vector<256x1xf32>, vector<256x1xf32>, vector<256x1xf32>, vector<256x1xf32>, vector<256x1xf32>, vector<256x1xf32>, vector<256x1xf32>, vector<256x1xf32>, vector<256x1xf32> -> vector<256x16xf32>
    %swap3A_309 = arith.constant 0 : index
    %swap3A_310 = arith.constant 0 : index
    %swap3A_311 = arith.constant 0 : index
    %swap3A_312 = arith.constant 0 : index
    %swap3A_313 = vector.load %arg5[%swap3A_309, %swap3A_310, %swap3A_311, %swap3A_312] : memref<1x1x256x16xf32, #tpu.memory_space<vmem>>, vector<1x1x256x16xf32>
    %swap3A_314 = vector.shape_cast %swap3A_313 : vector<1x1x256x16xf32> to vector<256x16xf32>
    %swap3A_315 = vector.shape_cast %concatenate3A_308 : vector<256x16xf32> to vector<1x1x256x16xf32>
    tpu.vector_store %arg5[%swap3A_309, %swap3A_310, %swap3A_311, %swap3A_312], %swap3A_315 {strides = array<i32>} : memref<1x1x256x16xf32, #tpu.memory_space<vmem>>, vector<1x1x256x16xf32>,
    %concatenate3A_316 = tpu.concatenate %broadcast_in_dim3A_42, %broadcast_in_dim3A_83, %broadcast_in_dim3A_99, %broadcast_in_dim3A_115, %broadcast_in_dim3A_131, %broadcast_in_dim3A_147, %broadcast_in_dim3A_163, %broadcast_in_dim3A_179, %broadcast_in_dim3A_195, %broadcast_in_dim3A_211, %broadcast_in_dim3A_227, %broadcast_in_dim3A_243, %broadcast_in_dim3A_259, %broadcast_in_dim3A_275, %broadcast_in_dim3A_291, %broadcast_in_dim3A_307 in 1 : vector<256x1xf32>, vector<256x1xf32>, vector<256x1xf32>, vector<256x1xf32>, vector<256x1xf32>, vector<256x1xf32>, vector<256x1xf32>, vector<256x1xf32>, vector<256x1xf32>, vector<256x1xf32>, vector<256x1xf32>, vector<256x1xf32>, vector<256x1xf32>, vector<256x1xf32>, vector<256x1xf32>, vector<256x1xf32> -> vector<256x16xf32>
    %convert_element_type3A_317 = arith.fptosi %concatenate3A_316 : vector<256x16xf32> to vector<256x16xi32>
    %swap3A_318 = arith.constant 0 : index
    %swap3A_319 = arith.constant 0 : index
    %swap3A_320 = arith.constant 0 : index
    %swap3A_321 = arith.constant 0 : index
    %swap3A_322 = vector.load %arg6[%swap3A_318, %swap3A_319, %swap3A_320, %swap3A_321] : memref<1x1x256x16xi32, #tpu.memory_space<vmem>>, vector<1x1x256x16xi32>
    %swap3A_323 = vector.shape_cast %swap3A_322 : vector<1x1x256x16xi32> to vector<256x16xi32>
    %swap3A_324 = vector.shape_cast %convert_element_type3A_317 : vector<256x16xi32> to vector<1x1x256x16xi32>
    tpu.vector_store %arg6[%swap3A_318, %swap3A_319, %swap3A_320, %swap3A_321], %swap3A_324 {strides = array<i32>} : memref<1x1x256x16xi32, #tpu.memory_space<vmem>>, vector<1x1x256x16xi32>,
    return
  }
  func.func @transform_0(%arg0: i32, %arg1: i32, %arg2: i32) -> (i32, i32, i32, i32) {
    %c0_i32 = arith.constant 0 : i32
    %c0_i32_0 = arith.constant 0 : i32
    %c0_i32_1 = arith.constant 0 : i32
    return %arg0, %arg2, %c0_i32, %c0_i32_0 : i32, i32, i32, i32
  }
  func.func @transform_1(%arg0: i32, %arg1: i32, %arg2: i32) -> (i32, i32, i32) {
    %c0_i32 = arith.constant 0 : i32
    %c0_i32_0 = arith.constant 0 : i32
    return %arg0, %arg1, %c0_i32 : i32, i32, i32
  }
  func.func @transform_2(%arg0: i32, %arg1: i32, %arg2: i32) -> (i32, i32, i32, i32) {
    %sub3A = arith.constant 7 : i32
    %sub3A_0 = arith.subi %sub3A, %arg2 : i32
    %c0_i32 = arith.constant 0 : i32
    %c0_i32_1 = arith.constant 0 : i32
    return %arg0, %sub3A_0, %arg1, %c0_i32 : i32, i32, i32, i32
  }
  func.func @transform_3(%arg0: i32, %arg1: i32, %arg2: i32) -> (i32, i32, i32, i32) {
    %sub3A = arith.constant 7 : i32
    %sub3A_0 = arith.subi %sub3A, %arg2 : i32
    %c0_i32 = arith.constant 0 : i32
    %c0_i32_1 = arith.constant 0 : i32
    return %arg0, %sub3A_0, %arg1, %c0_i32 : i32, i32, i32, i32
  }
  func.func @transform_4(%arg0: i32, %arg1: i32, %arg2: i32) -> (i32, i32, i32, i32) {
    %sub3A = arith.constant 7 : i32
    %sub3A_0 = arith.subi %sub3A, %arg2 : i32
    %c0_i32 = arith.constant 0 : i32
    %c0_i32_1 = arith.constant 0 : i32
    return %arg0, %sub3A_0, %arg1, %c0_i32 : i32, i32, i32, i32
  }
}

module attributes {stable_mosaic.version = 14 : i64} {
  func.func @_knn_body(%arg0: i32, %arg1: i32, %arg2: i32, %arg3: memref<1x1x3x1024xf32, #tpu.memory_space<vmem>>, %arg4: memref<1x256x3xf32, #tpu.memory_space<vmem>>, %arg5: memref<1x1x256x3xf32, #tpu.memory_space<vmem>>, %arg6: memref<256x3xf32, #tpu.memory_space<vmem>>) attributes {dimension_semantics = [#tpu.dimension_semantics<arbitrary>, #tpu.dimension_semantics<arbitrary>, #tpu.dimension_semantics<arbitrary>], iteration_bounds = array<i64: 16, 2, 8>, scalar_prefetch = 0 : i64, scratch_operands = 1 : i64, tpu.core_type = #tpu.core_type<tc>, window_params = [{transform_indices = @transform_0, window_bounds = array<i64: 1, 1, 3, 1024>}, {transform_indices = @transform_1, window_bounds = array<i64: 1, 256, 3>}, {transform_indices = @transform_2, window_bounds = array<i64: 1, 1, 256, 3>}]} {
    %eq3A = arith.constant 0 : i32
    %eq3A_0 = arith.cmpi eq, %arg2, %eq3A : i32
    %convert_element_type3A = arith.extui %eq3A_0 : i1 to i32
    %cond3A = arith.constant 0 : i32
    %cond3A_1 = arith.cmpi ne, %convert_element_type3A, %cond3A : i32
    scf.if %cond3A_1 {
      %get3A_70 = arith.constant 0 : index
      %get3A_71 = arith.constant 0 : index
      %get3A_72 = arith.constant 0 : index
      %get3A_73 = vector.load %arg4[%get3A_70, %get3A_71, %get3A_72] : memref<1x256x3xf32, #tpu.memory_space<vmem>>, vector<1x256x3xf32>
      %reshape3A = vector.shape_cast %get3A_73 : vector<1x256x3xf32> to vector<256x3xf32>
      %swap3A_74 = arith.constant 0 : index
      %swap3A_75 = arith.constant 0 : index
      %swap3A_76 = vector.load %arg6[%swap3A_74, %swap3A_75] : memref<256x3xf32, #tpu.memory_space<vmem>>, vector<256x3xf32>
      tpu.vector_store %arg6[%swap3A_74, %swap3A_75], %reshape3A {strides = array<i32>} : memref<256x3xf32, #tpu.memory_space<vmem>>, vector<256x3xf32>,
    } else {
    }
    %get3A = arith.constant 0 : index
    %get3A_2 = arith.constant 0 : index
    %get3A_3 = vector.load %arg6[%get3A, %get3A_2] : memref<256x3xf32, #tpu.memory_space<vmem>>, vector<256x3xf32>
    %slice3A = vector.extract_strided_slice %get3A_3 {offsets = [0, 0], sizes = [256, 1], strides = [1, 1]} : vector<256x3xf32> to vector<256x1xf32>
    %slice3A_4 = vector.extract_strided_slice %get3A_3 {offsets = [0, 1], sizes = [256, 1], strides = [1, 1]} : vector<256x3xf32> to vector<256x1xf32>
    %slice3A_5 = vector.extract_strided_slice %get3A_3 {offsets = [0, 2], sizes = [256, 1], strides = [1, 1]} : vector<256x3xf32> to vector<256x1xf32>
    %get3A_6 = arith.constant 0 : index
    %get3A_7 = arith.constant 0 : index
    %get3A_8 = arith.constant 0 : index
    %get3A_9 = arith.constant 0 : index
    %get3A_10 = vector.load %arg3[%get3A_6, %get3A_7, %get3A_8, %get3A_9] : memref<1x1x3x1024xf32, #tpu.memory_space<vmem>>, vector<1x1x1x1024xf32>
    %get3A_11 = vector.shape_cast %get3A_10 : vector<1x1x1x1024xf32> to vector<1x1024xf32>
    %get3A_12 = arith.constant 0 : index
    %get3A_13 = arith.constant 0 : index
    %get3A_14 = arith.constant 1 : index
    %get3A_15 = arith.constant 0 : index
    %get3A_16 = vector.load %arg3[%get3A_12, %get3A_13, %get3A_14, %get3A_15] : memref<1x1x3x1024xf32, #tpu.memory_space<vmem>>, vector<1x1x1x1024xf32>
    %get3A_17 = vector.shape_cast %get3A_16 : vector<1x1x1x1024xf32> to vector<1x1024xf32>
    %get3A_18 = arith.constant 0 : index
    %get3A_19 = arith.constant 0 : index
    %get3A_20 = arith.constant 2 : index
    %get3A_21 = arith.constant 0 : index
    %get3A_22 = vector.load %arg3[%get3A_18, %get3A_19, %get3A_20, %get3A_21] : memref<1x1x3x1024xf32, #tpu.memory_space<vmem>>, vector<1x1x1x1024xf32>
    %get3A_23 = vector.shape_cast %get3A_22 : vector<1x1x1x1024xf32> to vector<1x1024xf32>
    %sub3A = vector.broadcast %slice3A : vector<256x1xf32> to vector<256x1024xf32>
    %sub3A_24 = vector.broadcast %get3A_11 : vector<1x1024xf32> to vector<256x1024xf32>
    %sub3A_25 = arith.subf %sub3A, %sub3A_24 : vector<256x1024xf32>
    %sub3A_26 = vector.broadcast %slice3A_4 : vector<256x1xf32> to vector<256x1024xf32>
    %sub3A_27 = vector.broadcast %get3A_17 : vector<1x1024xf32> to vector<256x1024xf32>
    %sub3A_28 = arith.subf %sub3A_26, %sub3A_27 : vector<256x1024xf32>
    %sub3A_29 = vector.broadcast %slice3A_5 : vector<256x1xf32> to vector<256x1024xf32>
    %sub3A_30 = vector.broadcast %get3A_23 : vector<1x1024xf32> to vector<256x1024xf32>
    %sub3A_31 = arith.subf %sub3A_29, %sub3A_30 : vector<256x1024xf32>
    %mul3A = arith.mulf %sub3A_25, %sub3A_25 : vector<256x1024xf32>
    %mul3A_32 = arith.mulf %sub3A_28, %sub3A_28 : vector<256x1024xf32>
    %add3A = arith.addf %mul3A, %mul3A_32 : vector<256x1024xf32>
    %mul3A_33 = arith.mulf %sub3A_31, %sub3A_31 : vector<256x1024xf32>
    %add3A_34 = arith.addf %add3A, %mul3A_33 : vector<256x1024xf32>
    %iota3A = tpu.iota {dimensions = array<i32: 1>} : vector<256x1024xi32>
    %convert_element_type3A_35 = arith.sitofp %iota3A : vector<256x1024xi32> to vector<256x1024xf32>
    %reduce_min3A = arith.constant dense<0x7F800000> : vector<256xf32>
    %reduce_min3A_36 = vector.multi_reduction <minimumf>, %add3A_34, %reduce_min3A [1] : vector<256x1024xf32> to vector<256xf32>
    %broadcast_in_dim3A = vector.shape_cast %reduce_min3A_36 : vector<256xf32> to vector<256x1xf32>
    %eq3A_37 = vector.broadcast %broadcast_in_dim3A : vector<256x1xf32> to vector<256x1024xf32>
    %eq3A_38 = arith.cmpf oeq, %add3A_34, %eq3A_37 : vector<256x1024xf32>
    %jit3A = arith.constant 2.048000e+03 : f32
    %broadcast_in_dim3A_39 = vector.broadcast %jit3A : f32 to vector<256x1024xf32>
    %select_n3A = arith.select %eq3A_38, %convert_element_type3A_35, %broadcast_in_dim3A_39 : vector<256x1024xi1>, vector<256x1024xf32>
    %reduce_min3A_40 = arith.constant dense<0x7F800000> : vector<256xf32>
    %reduce_min3A_41 = vector.multi_reduction <minimumf>, %select_n3A, %reduce_min3A_40 [1] : vector<256x1024xf32> to vector<256xf32>
    %broadcast_in_dim3A_42 = vector.shape_cast %reduce_min3A_41 : vector<256xf32> to vector<256x1xf32>
    %eq3A_43 = vector.broadcast %broadcast_in_dim3A_42 : vector<256x1xf32> to vector<256x1024xf32>
    %eq3A_44 = arith.cmpf oeq, %convert_element_type3A_35, %eq3A_43 : vector<256x1024xf32>
    %convert_element_type3A_45 = arith.extui %eq3A_44 : vector<256x1024xi1> to vector<256x1024xi32>
    %convert_element_type3A_46 = arith.sitofp %convert_element_type3A_45 : vector<256x1024xi32> to vector<256x1024xf32>
    %mul3A_47 = vector.broadcast %get3A_11 : vector<1x1024xf32> to vector<256x1024xf32>
    %mul3A_48 = arith.mulf %convert_element_type3A_46, %mul3A_47 : vector<256x1024xf32>
    %reduce_sum3A = arith.constant dense<0.000000e+00> : vector<256xf32>
    %reduce_sum3A_49 = vector.multi_reduction <add>, %mul3A_48, %reduce_sum3A [1] : vector<256x1024xf32> to vector<256xf32>
    %broadcast_in_dim3A_50 = vector.shape_cast %reduce_sum3A_49 : vector<256xf32> to vector<256x1xf32>
    %mul3A_51 = vector.broadcast %get3A_17 : vector<1x1024xf32> to vector<256x1024xf32>
    %mul3A_52 = arith.mulf %convert_element_type3A_46, %mul3A_51 : vector<256x1024xf32>
    %reduce_sum3A_53 = arith.constant dense<0.000000e+00> : vector<256xf32>
    %reduce_sum3A_54 = vector.multi_reduction <add>, %mul3A_52, %reduce_sum3A_53 [1] : vector<256x1024xf32> to vector<256xf32>
    %broadcast_in_dim3A_55 = vector.shape_cast %reduce_sum3A_54 : vector<256xf32> to vector<256x1xf32>
    %mul3A_56 = vector.broadcast %get3A_23 : vector<1x1024xf32> to vector<256x1024xf32>
    %mul3A_57 = arith.mulf %convert_element_type3A_46, %mul3A_56 : vector<256x1024xf32>
    %reduce_sum3A_58 = arith.constant dense<0.000000e+00> : vector<256xf32>
    %reduce_sum3A_59 = vector.multi_reduction <add>, %mul3A_57, %reduce_sum3A_58 [1] : vector<256x1024xf32> to vector<256xf32>
    %broadcast_in_dim3A_60 = vector.shape_cast %reduce_sum3A_59 : vector<256xf32> to vector<256x1xf32>
    %concatenate3A = tpu.concatenate %broadcast_in_dim3A_50, %broadcast_in_dim3A_55, %broadcast_in_dim3A_60 in 1 : vector<256x1xf32>, vector<256x1xf32>, vector<256x1xf32> -> vector<256x3xf32>
    %swap3A = arith.constant 0 : index
    %swap3A_61 = arith.constant 0 : index
    %swap3A_62 = vector.load %arg6[%swap3A, %swap3A_61] : memref<256x3xf32, #tpu.memory_space<vmem>>, vector<256x3xf32>
    tpu.vector_store %arg6[%swap3A, %swap3A_61], %concatenate3A {strides = array<i32>} : memref<256x3xf32, #tpu.memory_space<vmem>>, vector<256x3xf32>,
    %swap3A_63 = arith.constant 0 : index
    %swap3A_64 = arith.constant 0 : index
    %swap3A_65 = arith.constant 0 : index
    %swap3A_66 = arith.constant 0 : index
    %swap3A_67 = vector.load %arg5[%swap3A_63, %swap3A_64, %swap3A_65, %swap3A_66] : memref<1x1x256x3xf32, #tpu.memory_space<vmem>>, vector<1x1x256x3xf32>
    %swap3A_68 = vector.shape_cast %swap3A_67 : vector<1x1x256x3xf32> to vector<256x3xf32>
    %swap3A_69 = vector.shape_cast %concatenate3A : vector<256x3xf32> to vector<1x1x256x3xf32>
    tpu.vector_store %arg5[%swap3A_63, %swap3A_64, %swap3A_65, %swap3A_66], %swap3A_69 {strides = array<i32>} : memref<1x1x256x3xf32, #tpu.memory_space<vmem>>, vector<1x1x256x3xf32>,
    return
  }
  func.func @transform_0(%arg0: i32, %arg1: i32, %arg2: i32) -> (i32, i32, i32, i32) {
    %c0_i32 = arith.constant 0 : i32
    %c0_i32_0 = arith.constant 0 : i32
    %c0_i32_1 = arith.constant 0 : i32
    return %arg0, %arg2, %c0_i32, %c0_i32_0 : i32, i32, i32, i32
  }
  func.func @transform_1(%arg0: i32, %arg1: i32, %arg2: i32) -> (i32, i32, i32) {
    %c0_i32 = arith.constant 0 : i32
    %c0_i32_0 = arith.constant 0 : i32
    return %arg0, %arg1, %c0_i32 : i32, i32, i32
  }
  func.func @transform_2(%arg0: i32, %arg1: i32, %arg2: i32) -> (i32, i32, i32, i32) {
    %c0_i32 = arith.constant 0 : i32
    %c0_i32_0 = arith.constant 0 : i32
    return %arg0, %arg2, %arg1, %c0_i32 : i32, i32, i32, i32
  }
}

</mosaic_0001>

<sc_bundles>
// kernel: kernel.10.cloned.1.call-start
scs
__scs_entry_jumppad:
0x0: {  	(pc) =	sbr.rel $0x88, $3  }
0x1: {  	(tag) =	ssettag $0x0;
	lr =	simm.s32 $0x1  }
0x2: {  	[smem:$0x3FA0] =	sst lr;
	_ =	strace $0xD0000000  }
0x3: {  	_ = 	snop  }
0x4: {  	_ = 	snop  }
0x5: {  	_ = 	snop  }
0x6: {  	_ = 	snop  }
0x7: {  	_ = 	snop  }
__scs_overlays_trampoline_lowered:
0x8: {  	[smem:$0x3FAF] =	sst s0  }
0x9: {  	[smem:$0x3FB0] =	sst s1  }
0xa: {  	[smem:$0x3FB1] =	sst s2  }
0xb: {  	[smem:$0x3FB2] =	sst s3  }
0xc: {  	[smem:$0x3FB3] =	sst s4  }
0xd: {  	[smem:$0x3FB4] =	sst s5  }
0xe: {  	[smem:$0x3FB5] =	sst s6  }
0xf: {  	[smem:$0x3FB6] =	sst s7  }
0x10: {  	[smem:$0x3FB7] =	sst s8  }
0x11: {  	[smem:$0x3FB8] =	sst s9;
	s0 =	simm.s32 @!p0 $0x0  }
0x12: {  	s1 =	sld [smem:$0x3F9E];
	s0 =	simm.s32 @p0 $0x1  }
0x13: {  	[smem:$0x3FB9] =	sst s0;
	s0 =	simm.s32 @!p1 $0x0  }
0x14: {  	s2 =	sld [smem:$0x3F9D];
	s0 =	simm.s32 @p1 $0x1  }
0x15: {  	[smem:$0x3FBA] =	sst s0;
	s0 =	simm.s32 @!p2 $0x0  }
0x16: {  	s3 =	sld [smem:$0x3FDB];
	s0 =	simm.s32 @p2 $0x1  }
0x17: {  	s4 =	simm.s32 $0x1BF5;
	[smem:$0x3FBC] =	sst s0  }
0x18: {  	s0 =	sld [smem:$0x3F9F];
	_ =	swait.ge [sflag:s4], $0x0  }
0x19: {  	s7 =	sld [smem:$0x3FA0]  }
0x1a: {  	s8 =	sadd.s32 $0xFFFFE003, lr  }
0x1b: {  	s9 =	sadd.s32 $0xFFFFFEF7, lr;
	s5 =	simm.s32 $0xFFFFFFFF;
	p2 =	slt.u32 s8, $0xFFFFF086  }
0x1c: {  	p1 =	slt.u32 s9, $0xF7A;
	s5 =	simm.s32 @!p2 $0x0  }
0x1d: {  	s5 =	simm.s32 @p1 $0x1;
	p0 =	seq.s32 s7, s2  }
0x1e: {  	s7 =	smul.u32 @!p0 $0xF7A, s2;
	p2 =	seq.s32 @!p0 s5, $0x0  }
0x1f: {  	s9 =	smul.u32 $0xF7A, s1;
	s8 =	simm.s32 @!p0 $0x1BF5;
	p2 =	por !p2, p0  }
0x20: {  	[sflag:s8] =	ssyncset.s32 @!p0 $0xFFFFF086;
	s6 =	sadd.s32 @!p0 s3, s7;
	s7 =	simm.s32 @!p0 $0x108  }
0x21: {  	s3 =	sadd.s32 s3, s9;
	s6 =	sadd.s32 @!p0 $0x88, s6;
	s7 =	simm.s32 @p2 $0x1082  }
0x22: {  	[simem:s7], [sflag:s8] =	dma.local @!p0 [hbm:s6], $0xF7A  }
0x23: {  	s9 =	sor.u32 $0xD0000000, s2;
	s6 =	simm.s32 $0x108;
	_ =	swait.ge @!p0 [sflag:s8], $0x0  }
0x24: {  	s3 =	sadd.s32 $0x88, s3;
	s6 =	simm.s32 @!p1 $0x1082;
	[sflag:s4] =	ssyncset.s32 $0xFFFFF086  }
0x25: {  	[simem:s6], [sflag:s4] =	dma.local [hbm:s3], $0xF7A  }
0x26: {  	[smem:$0x3FA0] =	sst s1;
	(tag) =	ssettag s2;
	_ =	strace s9  }
0x27: {  	s1 =	sld [smem:$0x3FB0]  }
0x28: {  	s2 =	sld [smem:$0x3FB1]  }
0x29: {  	s4 =	sld [smem:$0x3FB3]  }
0x2a: {  	p0 =	seq.s32 s5, $0x0;
	s5 =	sld [smem:$0x3FB4]  }
0x2b: {  	s6 =	sld [smem:$0x3FB5]  }
0x2c: {  	s7 =	sld [smem:$0x3FB6]  }
0x2d: {  	s3 =	simm.s32 $0x108;
	s8 =	sld [smem:$0x3FB7]  }
0x2e: {  	s3 =	simm.s32 @!p0 $0x1082;
	s9 =	sld [smem:$0x3FB8]  }
0x2f: {  	lr =	sadd.s32 s0, s3;
	s0 =	sld [smem:$0x3FAF]  }
0x30: {  	s3 =	sld [smem:$0x3FB2]  }
0x31: {  	[smem:$0x3FBB] =	sst s10  }
0x32: {  	s10 =	sld [smem:$0x3FB9];
	_ =	sdelay $0x3  }
0x33: {  	p0 =	seq.s32 s10, $0x1;
	s10 =	sld [smem:$0x3FBB];
	_ =	sdelay $0x3  }
0x34: {  	[smem:$0x3FBB] =	sst s10  }
0x35: {  	s10 =	sld [smem:$0x3FBA];
	_ =	sdelay $0x3  }
0x36: {  	p1 =	seq.s32 s10, $0x1;
	s10 =	sld [smem:$0x3FBB];
	_ =	sdelay $0x3  }
0x37: {  	[smem:$0x3FBB] =	sst s10  }
0x38: {  	s10 =	sld [smem:$0x3FBC]  }
0x39: {  	_ = 	snop;
	(pc) =	sbr.ind lr, $3  }
0x3a: {  	_ = 	snop  }
0x3b: {  	_ = 	snop  }
0x3c: {  	p2 =	seq.s32 s10, $0x1;
	s10 =	sld [smem:$0x3FBB]  }
0x3d: {  	_ =	shalt  }
0x3e: {  	_ =	shalt  }
0x3f: {  	_ =	shalt  }
0x40: {  	_ =	shalt  }
0x41: {  	_ =	shalt  }
0x42: {  	_ =	shalt  }
0x43: {  	_ =	shalt  }
0x44: {  	_ =	shalt  }
0x45: {  	_ =	shalt  }
0x46: {  	_ =	shalt  }
0x47: {  	_ =	shalt  }
0x48: {  	_ =	shalt  }
0x49: {  	_ =	shalt  }
0x4a: {  	_ =	shalt  }
0x4b: {  	_ =	shalt  }
0x4c: {  	_ =	shalt  }
0x4d: {  	_ =	shalt  }
0x4e: {  	_ =	shalt  }
0x4f: {  	_ =	shalt  }
0x50: {  	_ =	shalt  }
0x51: {  	_ =	shalt  }
0x52: {  	_ =	shalt  }
0x53: {  	_ =	shalt  }
0x54: {  	_ =	shalt  }
0x55: {  	_ =	shalt  }
0x56: {  	_ =	shalt  }
0x57: {  	_ =	shalt  }
0x58: {  	_ =	shalt  }
0x59: {  	_ =	shalt  }
0x5a: {  	_ =	shalt  }
0x5b: {  	_ =	shalt  }
0x5c: {  	_ =	shalt  }
0x5d: {  	_ =	shalt  }
0x5e: {  	_ =	shalt  }
0x5f: {  	_ =	shalt  }
0x60: {  	_ =	shalt  }
0x61: {  	_ =	shalt  }
0x62: {  	_ =	shalt  }
0x63: {  	_ =	shalt  }
0x64: {  	_ =	shalt  }
0x65: {  	_ =	shalt  }
0x66: {  	_ =	shalt  }
0x67: {  	_ =	shalt  }
0x68: {  	_ =	shalt  }
0x69: {  	_ =	shalt  }
0x6a: {  	_ =	shalt  }
0x6b: {  	_ =	shalt  }
0x6c: {  	_ =	shalt  }
0x6d: {  	_ =	shalt  }
0x6e: {  	_ =	shalt  }
0x6f: {  	_ =	shalt  }
0x70: {  	_ =	shalt  }
0x71: {  	_ =	shalt  }
0x72: {  	_ =	shalt  }
0x73: {  	_ =	shalt  }
0x74: {  	_ =	shalt  }
0x75: {  	_ =	shalt  }
0x76: {  	_ =	shalt  }
0x77: {  	_ =	shalt  }
0x78: {  	_ =	shalt  }
0x79: {  	_ =	shalt  }
0x7a: {  	_ =	shalt  }
0x7b: {  	_ =	shalt  }
0x7c: {  	_ =	shalt  }
0x7d: {  	_ =	shalt  }
0x7e: {  	_ =	shalt  }
0x7f: {  	_ =	shalt  }
0x80: {  	_ =	shalt  }
0x81: {  	_ =	shalt  }
0x82: {  	_ =	shalt  }
0x83: {  	_ =	shalt  }
0x84: {  	_ =	shalt  }
0x85: {  	_ =	shalt  }
0x86: {  	_ =	shalt  }
0x87: {  	_ =	shalt  }
.Lfunc_end0:
.L_simem_size_0:
called_computation.1_lowered:
.L_overlay_start_0:
0x88: {  	s2 =	sld [smem:$0x3FD9]  }
0x89: {  	s3 =	sld [smem:$0x3FFE];
	_ =	sdelay $0x1  }
0x8a: {  	s1 =	srdreg.scid  }
0x8b: {  	s0 =	sand.u32 $0x1, s1  }
0x8c: {  	s15 =	sshll.u32 s0, $0xA;
	s2 =	sadd.s32 s3, s2  }
0x8d: {  	s2 =	sadd.s32 s2, s15  }
0x8e: {  	[smem:$0x3FC7] =	sst s2  }
0x8f: {  	_ = 	snop  }
0x90: {  	s2 =	sld [smem:$0x3FD0];
	_ =	sdelay $0x2  }
0x91: {  	s16 =	simm.s32 $0xB;
	s4 =	simm.s32 $0x10  }
0x92: {  	[smem:s4], [sflag:s16] =	dma.local [hbm:s2], $0x1  }
0x93: {  	_ =	swait.eq [sflag:s16], $0x1  }
0x94: {  	[sflag:s16] =	ssyncset.done $0x0  }
0x95: {  	[sflag:s16] =	ssyncadd.s32 $0xFFFFFFFF  }
0x96: {  	s17 =	sld [smem:$0x10];
	(tm) =	ssettm $0x1  }
0x97: {  	s18 =	sld [smem:$0x3FFB];
	_ =	sdelay $0x3  }
0x98: {  	_ =	strace s18  }
0x99: {  	s2 =	sld [smem:$0x3FFC];
	_ =	sdelay $0x3  }
0x9a: {  	_ =	strace s2  }
0x9b: {  	s2 =	sld [smem:$0x3FFD];
	_ =	sdelay $0x3  }
0x9c: {  	_ =	strace s2  }
0x9d: {  	_ =	strace $0x8FFFFFFF  }
0x9e: {  	s19 =	sld [smem:$0x3FDB];
	_ =	sdelay $0x1  }
0x9f: {  	s20 =	simm.s32 $_scs_section_size  }
0xa0: {  	s5 =	simm.s32 $_size__tile_overlayer_lowered;
	s6 =	simm.s32 $_tile_overlayer_lowered  }
0xa1: {  	s7 =	simm.s32 $0x1BFF;
	s21 =	sshll.u32 s6, $0x1;
	s4 =	sadd.s32 s20, s19  }
0xa2: {  	s22 =	simm.s32 $0x0;
	s5 =	sshll.u32 s5, $0x1;
	s6 =	sadd.s32 s21, s4  }
0xa3: {  	[timem:s22], [sflag:s7] =	dma.local [hbm:s6], s5  }
0xa4: {  	_ =	swait.ge [sflag:s7], s5  }
0xa5: {  	s5 =	ssub.s32 $0x0, s5;
	[sflag:s7] =	ssyncset.done $0x0  }
0xa6: {  	[sflag:s7] =	ssyncadd.s32 s5;
	_ =	sdelay $0x1  }
0xa7: {  	s23 =	simm.s32 $0x1B8B  }
0xa8: {  	_ =	swait.ge [sflag:s23], $0x1  }
0xa9: {  	[sflag:s23] =	ssyncset.done $0x0  }
0xaa: {  	[sflag:s23] =	ssyncadd.s32 $0xFFFFFFFF  }
0xab: {  	s5 =	sld [smem:$0x0]  }
0xac: {  	s6 =	sand.u32 $0xFFFFFFFE, s1  }
0xad: {  	p0 =	sne.s32 s1, s6  }
0xae: {  	s6 =	sshll.u32 @p0 s6, $0xE  }
0xaf: {  	s6 =	sadd.s32 @p0 $0x11B8D, s6;
	s7 =	sshll.u32 @p0 s5, $0x11  }
0xb0: {  	s6 =	sor.u32 @p0 s7, s6  }
0xb1: {  	[sflag:s6] =	ssyncadd.remote.s32 @p0 $0x1;
	_ =	sdelay $0x1  }
0xb2: {  	s6 =	simm.s32 @p0 $0x1B8D  }
0xb3: {  	_ =	swait.eq @p0 [sflag:s6], $0x1  }
0xb4: {  	[sflag:s6] =	ssyncadd.s32 @p0 $0xFFFFFFFF  }
0xb5: {  	s7 =	sshll.u32 @!p0 s1, $0xE  }
0xb6: {  	s7 =	sor.u32 @!p0 $0x4000, s7;
	s6 =	simm.s32 @!p0 $0x1B8D  }
0xb7: {  	s5 =	sshll.u32 @!p0 s5, $0x11;
	s7 =	sadd.s32 @!p0 $0x11B8D, s7;
	_ =	swait.eq @!p0 [sflag:s6], $0x1  }
0xb8: {  	s5 =	sor.u32 @!p0 s5, s7;
	[sflag:s6] =	ssyncadd.s32 @!p0 $0xFFFFFFFF  }
0xb9: {  	s25 =	simm.s32 $0x1B8E;
	s24 =	sld [smem:$0x3FFE];
	[sflag:s5] =	ssyncadd.remote.s32 @!p0 $0x1  }
0xba: {  	s26 =	simm.s32 $execute0_lowered;
	[smem:$0x3FD2] =	sst s25  }
0xbb: {  	s6 =	sshll.u32 s26, $0x1;
	_ =	strace $0x80000049;
	[dreg:$0x1] =	wrdreg $0xFFFFFFFF  }
0xbc: {  	s28 =	simm.s32 $_size_execute0_lowered;
	s4 =	sadd.s32 s4, s6;
	[dreg:$0x0] =	wrdreg $0x0  }
0xbd: {  	s6 =	sshll.u32 s28, $0x1;
	[dreg:$0x2] =	wrdreg s4  }
0xbe: {  	[dreg:$0x3] =	wrdreg s6  }
0xbf: {  	[dreg:$0x4] =	wrdreg $0xC0  }
0xc0: {  	_ =	task [dreg:s22], $0x5FFFF  }
0xc1: {  	[dreg:$0x1] =	wrdreg $0xFFFFFFFF  }
0xc2: {  	[dreg:$0x0] =	wrdreg $0x60  }
0xc3: {  	[dreg:$0x2] =	wrdreg s24  }
0xc4: {  	[dreg:$0x3] =	wrdreg s17  }
0xc5: {  	[dreg:$0x4] =	wrdreg $0xA  }
0xc6: {  	_ =	task.clear_ibuf [dreg:s22], $0x5FFFF;
	_ =	strace $0x90000049  }
0xc7: {  	s29 =	simm.s32 $0xA;
	_ =	strace $0x8000004B  }
0xc8: {  	_ =	swait.ge [sflag:s29], $0x1  }
0xc9: {  	[sflag:s29] =	ssyncadd.s32 $0xFFFFFFFF  }
0xca: {  	_ =	strace $0x9000004B  }
0xcb: {  	_ =	sfence  }
0xcc: {  	s30 =	sld [smem:$0x0];
	_ =	sdelay $0x2  }
0xcd: {  	s31 =	sshll.u32 s1, $0xD;
	s1 =	sshrl.u32 s1, $0x2  }
0xce: {  	s4 =	sand.u32 $0x4000, s31;
	s1 =	sadd.s32 s1, s30  }
0xcf: {  	s0 =	sor.u32 s4, s0;
	s1 =	sshll.u32 s1, $0x11  }
0xd0: {  	s0 =	sor.u32 s1, s0  }
0xd1: {  	s0 =	sadd.s32 $0x8F2B, s0  }
0xd2: {  	[sflag:s0] =	ssyncadd.remote.s32 $0x1  }
0xd3: {  	_ =	sfence.sel $0xFFFF  }
0xd4: {  	[dreg:$0x0] =	wrdreg $0xFFFFFFFF;
	(pc) =	sbr.abs _section_cstart, $3  }
0xd5: {  	[dreg:$0x1] =	wrdreg $0xFFFFFFFF  }
0xd6: {  	_ =	task.clear_ibuf [dreg:s22], $0x2FFFF;
	_ =	strace $0x9FFFFFFF  }
0xd7: {  	(tm) =	ssettm $0x7FFFFFFF  }
tec
execute0_lowered:
.L_overlay_start_1:
0x0: {  	(tag) =	ssettag $0x1  }
0x1: {  	s4 =	rddreg [dreg:$0x0]  }
0x2: {  	s1 =	rddreg [dreg:$0x1]  }
0x3: {  	s0 =	rddreg [dreg:$0x2];
	s2 =	simm.s32 $0x0  }
0x4: {  	s3 =	srdreg.scid;
	s11 =	simm.s32 $0x80;
	s12 =	simm.s32 $0x400  }
0x5: {  	s13 =	simm.s32 $0x1;
	s14 =	simm.s32 $0x4000;
	s15 =	simm.s32 $0xA000  }
0x6: {  	s16 =	simm.s32 $0x0;
	[smem:$0x7FF] =	sst s2;
	s7 =	sand.u32 $0x1, s3  }
0x7: {  	v0 =	vlaneseq.u32;
	s3 =	sadd.s32 $0x419800, s4;
	s5 =	sadd.s32 $0x439800, s4;
	s8 =	ssub.s32 $0x2, s7  }
0x8: {  	s6 =	sadd.s32 $0x459800, s4;
	s4 =	stileid.u32;
	v0 =	vmul.u32 $0x3, v0;
	s9 =	sshrl.u32 s8, $0x1  }
0x9: {  	_ =	strace $0x8000004A;
	s7 =	sshll.u32 s7, $0x9;
	s10 =	ssub.s32 s8, s9  }
0xa: {  	v1 =	vadd.s32 $0x1, v0;
	v2 =	vadd.s32 $0x2, v0;
	s8 =	sshll.u32 s4, $0x10;
	s9 =	smul.u32 $0x30000, s4;
	s10 =	smax.u32 s10, $0x1  }
.LBB2_1:
0xb: {  	s17 =	simm.s32 $0x0  }
.LBB2_2:
0xc: {  	s18 =	sshll.u32 s17, $0x7  }
0xd: {  	s18 =	sadd.s32 s7, s18  }
0xe: {  	s19 =	sadd.s32 s8, s18  }
0xf: {  	s19 =	sshrl.u32 s19, $0x3  }
0x10: {  	s21 =	simm.s32 $0x0;
	s20 =	sadd.s32 s3, s19  }
0x11: {  	[tilespmem:s21], [sflag:$0x1] =	stream.strided.gather [hbm4b:s20+s11], $0x2000, s12, s11, $0x38;
	[tilespmem:$0x10000] =	vst v63  }
0x12: {  	_ =	swait.ge [sflag:s13], $0x2000  }
0x13: {  	[sflag:s13] =	ssyncset.done $0x0  }
0x14: {  	s31 =	sadd.s32 s5, s19;
	s19 =	simm.s32 $0x2000;
	[sflag:s13] =	ssyncadd.s32 $0xFFFFE000  }
0x15: {  	[tilespmem:s19], [sflag:$0x1] =	stream.strided.gather [hbm4b:s31+s11], $0x2000, s12, s11, $0x38;
	[tilespmem:$0x10000] =	vst v63  }
0x16: {  	_ =	swait.ge [sflag:s13], $0x2000  }
0x17: {  	[sflag:s13] =	ssyncset.done $0x0  }
0x18: {  	[sflag:s13] =	ssyncadd.s32 $0xFFFFE000  }
0x19: {  	v3 =	vld [tilespmem:s19+$0x0];
	_ =	sdelay $0x4  }
0x1a: {  	v4 =	vshll.u32 v3, $0x3;
	_ =	sdelay $0x4  }
0x1b: {  	v5 =	vadd.s32 s21, v0;
	v3 =	vld.idx.msk [tilespmem:v4+s2+$0x0], $0xffff  }
0x1c: {  	v6 =	vor.u32 $0x3, v4;
	_ =	sdelay $0x3  }
0x1d: {  	[tilespmem:v5+s14+$0x0] =	vst.idx.msk $0xffff, v3  }
0x1e: {  	v3 =	vld.idx.msk [tilespmem:v6+s2+$0x0], $0xffff  }
0x1f: {  	v6 =	vor.u32 $0x1, v4;
	_ =	sdelay $0x3  }
0x20: {  	[tilespmem:v5+s15+$0x0] =	vst.idx.msk $0xffff, v3  }
0x21: {  	v5 =	vadd.s32 s21, v1;
	v3 =	vld.idx.msk [tilespmem:v6+s2+$0x0], $0xffff  }
0x22: {  	v6 =	vor.u32 $0x4, v4;
	_ =	sdelay $0x3  }
0x23: {  	[tilespmem:v5+s14+$0x0] =	vst.idx.msk $0xffff, v3  }
0x24: {  	v3 =	vld.idx.msk [tilespmem:v6+s2+$0x0], $0xffff  }
0x25: {  	v6 =	vor.u32 $0x2, v4;
	_ =	sdelay $0x3  }
0x26: {  	[tilespmem:v5+s15+$0x0] =	vst.idx.msk $0xffff, v3  }
0x27: {  	v3 =	vadd.s32 s21, v2;
	v5 =	vld.idx.msk [tilespmem:v6+s2+$0x0], $0xffff  }
0x28: {  	v4 =	vor.u32 $0x5, v4;
	_ =	sdelay $0x3  }
0x29: {  	[tilespmem:v3+s14+$0x0] =	vst.idx.msk $0xffff, v5  }
0x2a: {  	s20 =	simm.s32 $0x30;
	v4 =	vld.idx.msk [tilespmem:v4+s2+$0x0], $0xffff  }
.LBB2_3:
0x2b: {  	_ =	sdelay $0x2  }
0x2c: {  	p0 =	sne.s32 s20, $0x5FD0  }
0x2d: {  	s19 =	sadd.s32 $0x10, s19;
	s21 =	smov.u32 s20;
	s20 =	sadd.s32 $0x30, s20;
	[tilespmem:v3+s15+$0x0] =	vst.idx.msk $0xffff, v4  }
0x2e: {  	v3 =	vld [tilespmem:s19+$0x0];
	_ =	sdelay $0x4  }
0x2f: {  	v4 =	vshll.u32 v3, $0x3;
	_ =	sdelay $0x4  }
0x30: {  	v3 =	vld.idx.msk [tilespmem:v4+s2+$0x0], $0xffff  }
0x31: {  	v5 =	vadd.s32 s21, v0  }
0x32: {  	v6 =	vor.u32 $0x3, v4;
	_ =	sdelay $0x3  }
0x33: {  	[tilespmem:v5+s14+$0x0] =	vst.idx.msk $0xffff, v3  }
0x34: {  	v3 =	vld.idx.msk [tilespmem:v6+s2+$0x0], $0xffff;
	_ =	sdelay $0x1  }
0x35: {  	v6 =	vor.u32 $0x1, v4;
	_ =	sdelay $0x3  }
0x36: {  	[tilespmem:v5+s15+$0x0] =	vst.idx.msk $0xffff, v3  }
0x37: {  	v3 =	vld.idx.msk [tilespmem:v6+s2+$0x0], $0xffff  }
0x38: {  	v5 =	vadd.s32 s21, v1  }
0x39: {  	v6 =	vor.u32 $0x4, v4;
	_ =	sdelay $0x3  }
0x3a: {  	[tilespmem:v5+s14+$0x0] =	vst.idx.msk $0xffff, v3  }
0x3b: {  	v3 =	vld.idx.msk [tilespmem:v6+s2+$0x0], $0xffff;
	_ =	sdelay $0x1  }
0x3c: {  	v6 =	vor.u32 $0x2, v4;
	_ =	sdelay $0x3  }
0x3d: {  	[tilespmem:v5+s15+$0x0] =	vst.idx.msk $0xffff, v3  }
0x3e: {  	v5 =	vld.idx.msk [tilespmem:v6+s2+$0x0], $0xffff  }
0x3f: {  	v3 =	vadd.s32 s21, v2  }
0x40: {  	v4 =	vor.u32 $0x5, v4  }
.Ltmp0:
0x41: {  	(pc) =	sbr.rel @p0 .LBB2_3-.Ltmp0, $3  }
0x42: {  	_ =	sdelay $0x1  }
0x43: {  	[tilespmem:v3+s14+$0x0] =	vst.idx.msk $0xffff, v5  }
0x44: {  	v4 =	vld.idx.msk [tilespmem:v4+s2+$0x0], $0xffff  }
0x45: {  	_ =	sdelay $0x1  }
0x46: {  	s18 =	sadd.s32 s9, s18  }
0x47: {  	s18 =	sshrl.u32 s18, $0x3  }
0x48: {  	s19 =	sadd.s32 s1, s18;
	[tilespmem:v3+s15+$0x0] =	vst.idx.msk $0xffff, v4  }
0x49: {  	[hbm4b:s19+s11] =	stream.strided.scatter [tilespmem:s14], [sflag:$0x1], $0x6000, s12, s11, $0x38;
	[tilespmem:$0x10000] =	vst v63  }
0x4a: {  	s17 =	sadd.s32 $0x1, s17;
	_ =	swait.ge [sflag:s13], $0x6000  }
0x4b: {  	p0 =	sne.s32 s17, $0x4;
	[sflag:s13] =	ssyncset.done $0x0  }
.Ltmp1:
0x4c: {  	s18 =	sadd.s32 s6, s18;
	[sflag:s13] =	ssyncadd.s32 $0xFFFFA000;
	(pc) =	sbr.rel @p0 .LBB2_2-.Ltmp1, $4  }
0x4d: {  	[hbm4b:s18+s11] =	stream.strided.scatter [tilespmem:s15], [sflag:$0x1], $0x6000, s12, s11, $0x38;
	[tilespmem:$0x10000] =	vst v63  }
0x4e: {  	_ =	swait.ge [sflag:s13], $0x6000  }
0x4f: {  	[sflag:s13] =	ssyncset.done $0x0  }
0x50: {  	[sflag:s13] =	ssyncadd.s32 $0xFFFFA000  }
0x51: {  	s16 =	sadd.s32 $0x1, s16  }
0x52: {  	p0 =	sne.s32 s16, s10  }
.Ltmp2:
0x53: {  	_ = 	snop;
	(pc) =	sbr.rel @p0 .LBB2_1-.Ltmp2, $1  }
0x54: {  	_ =	sdelay $0x3  }
0x55: {  	_ =	sfence.sel $0x180000  }
0x56: {  	[bflag:$0x0] =	sbarrier.arrive $0xFFFF  }
0x57: {  	p0 =	sne.s32 s4, $0x0;
	_ =	strace $0x9000004A  }
0x58: {  	s0 =	sadd.s32 @!p0 $0x100000, s0;
	[bflag:$0x2] =	sbarrier.arrive $0xFFFF  }
0x59: {  	[sflag:s0] =	ssyncadd.tile.s32 @!p0 $0x1;
	_ =	shalt  }
.Lfunc_end2:
_tile_overlayer_lowered:
.L_overlay_start_2:
0x5a: {  	(tag) =	ssettag $0x2  }
0x5b: {  	s0 =	rddreg [dreg:$0x0];
	s2 =	stileid.u32  }
0x5c: {  	s1 =	rddreg [dreg:$0x1];
	p0 =	sne.s32 s2, $0x0  }
0x5d: {  	s3 =	rddreg [dreg:$0x2];
	[bflag:$0x3] =	sbarrier.arrive $0xFFFF;
	s2 =	simm.s32 @!p0 $0x1C01  }
0x5e: {  	[timem:s3], [sflag:s2] =	dma.local @!p0 [hbm:s0], s1  }
0x5f: {  	s0 =	simm.s32 @!p0 $0x1  }
0x60: {  	_ =	swait.ge @!p0 [sflag:s0], s1  }
0x61: {  	s1 =	ssub.s32 @!p0 $0x0, s1;
	[sflag:s0] =	ssyncset.done @!p0 $0x0  }
0x62: {  	[sflag:s0] =	ssyncadd.s32 @!p0 s1  }
0x63: {  	[bflag:$0x3] =	sbarrier.arrive $0xFFFF  }
0x64: {  	_ =	shalt  }

// kernel: kernel.7.cloned.1.call-start
scs
__scs_entry_jumppad:
0x0: {  	(pc) =	sbr.rel $0x88, $3  }
0x1: {  	(tag) =	ssettag $0x0;
	lr =	simm.s32 $0x1  }
0x2: {  	[smem:$0x3FA0] =	sst lr;
	_ =	strace $0xD0000000  }
0x3: {  	_ = 	snop  }
0x4: {  	_ = 	snop  }
0x5: {  	_ = 	snop  }
0x6: {  	_ = 	snop  }
0x7: {  	_ = 	snop  }
__scs_overlays_trampoline_lowered:
0x8: {  	[smem:$0x3FAF] =	sst s0  }
0x9: {  	[smem:$0x3FB0] =	sst s1  }
0xa: {  	[smem:$0x3FB1] =	sst s2  }
0xb: {  	[smem:$0x3FB2] =	sst s3  }
0xc: {  	[smem:$0x3FB3] =	sst s4  }
0xd: {  	[smem:$0x3FB4] =	sst s5  }
0xe: {  	[smem:$0x3FB5] =	sst s6  }
0xf: {  	[smem:$0x3FB6] =	sst s7  }
0x10: {  	[smem:$0x3FB7] =	sst s8  }
0x11: {  	[smem:$0x3FB8] =	sst s9;
	s0 =	simm.s32 @!p0 $0x0  }
0x12: {  	s1 =	sld [smem:$0x3F9E];
	s0 =	simm.s32 @p0 $0x1  }
0x13: {  	[smem:$0x3FB9] =	sst s0;
	s0 =	simm.s32 @!p1 $0x0  }
0x14: {  	s2 =	sld [smem:$0x3F9D];
	s0 =	simm.s32 @p1 $0x1  }
0x15: {  	[smem:$0x3FBA] =	sst s0;
	s0 =	simm.s32 @!p2 $0x0  }
0x16: {  	s3 =	sld [smem:$0x3FDB];
	s0 =	simm.s32 @p2 $0x1  }
0x17: {  	s4 =	simm.s32 $0x1BF5;
	[smem:$0x3FBC] =	sst s0  }
0x18: {  	s0 =	sld [smem:$0x3F9F];
	_ =	swait.ge [sflag:s4], $0x0  }
0x19: {  	s7 =	sld [smem:$0x3FA0]  }
0x1a: {  	s8 =	sadd.s32 $0xFFFFE003, lr  }
0x1b: {  	s9 =	sadd.s32 $0xFFFFFEF7, lr;
	s5 =	simm.s32 $0xFFFFFFFF;
	p2 =	slt.u32 s8, $0xFFFFF086  }
0x1c: {  	p1 =	slt.u32 s9, $0xF7A;
	s5 =	simm.s32 @!p2 $0x0  }
0x1d: {  	s5 =	simm.s32 @p1 $0x1;
	p0 =	seq.s32 s7, s2  }
0x1e: {  	s7 =	smul.u32 @!p0 $0xF7A, s2;
	p2 =	seq.s32 @!p0 s5, $0x0  }
0x1f: {  	s9 =	smul.u32 $0xF7A, s1;
	s8 =	simm.s32 @!p0 $0x1BF5;
	p2 =	por !p2, p0  }
0x20: {  	[sflag:s8] =	ssyncset.s32 @!p0 $0xFFFFF086;
	s6 =	sadd.s32 @!p0 s3, s7;
	s7 =	simm.s32 @!p0 $0x108  }
0x21: {  	s3 =	sadd.s32 s3, s9;
	s6 =	sadd.s32 @!p0 $0x88, s6;
	s7 =	simm.s32 @p2 $0x1082  }
0x22: {  	[simem:s7], [sflag:s8] =	dma.local @!p0 [hbm:s6], $0xF7A  }
0x23: {  	s9 =	sor.u32 $0xD0000000, s2;
	s6 =	simm.s32 $0x108;
	_ =	swait.ge @!p0 [sflag:s8], $0x0  }
0x24: {  	s3 =	sadd.s32 $0x88, s3;
	s6 =	simm.s32 @!p1 $0x1082;
	[sflag:s4] =	ssyncset.s32 $0xFFFFF086  }
0x25: {  	[simem:s6], [sflag:s4] =	dma.local [hbm:s3], $0xF7A  }
0x26: {  	[smem:$0x3FA0] =	sst s1;
	(tag) =	ssettag s2;
	_ =	strace s9  }
0x27: {  	s1 =	sld [smem:$0x3FB0]  }
0x28: {  	s2 =	sld [smem:$0x3FB1]  }
0x29: {  	s4 =	sld [smem:$0x3FB3]  }
0x2a: {  	p0 =	seq.s32 s5, $0x0;
	s5 =	sld [smem:$0x3FB4]  }
0x2b: {  	s6 =	sld [smem:$0x3FB5]  }
0x2c: {  	s7 =	sld [smem:$0x3FB6]  }
0x2d: {  	s3 =	simm.s32 $0x108;
	s8 =	sld [smem:$0x3FB7]  }
0x2e: {  	s3 =	simm.s32 @!p0 $0x1082;
	s9 =	sld [smem:$0x3FB8]  }
0x2f: {  	lr =	sadd.s32 s0, s3;
	s0 =	sld [smem:$0x3FAF]  }
0x30: {  	s3 =	sld [smem:$0x3FB2]  }
0x31: {  	[smem:$0x3FBB] =	sst s10  }
0x32: {  	s10 =	sld [smem:$0x3FB9];
	_ =	sdelay $0x3  }
0x33: {  	p0 =	seq.s32 s10, $0x1;
	s10 =	sld [smem:$0x3FBB];
	_ =	sdelay $0x3  }
0x34: {  	[smem:$0x3FBB] =	sst s10  }
0x35: {  	s10 =	sld [smem:$0x3FBA];
	_ =	sdelay $0x3  }
0x36: {  	p1 =	seq.s32 s10, $0x1;
	s10 =	sld [smem:$0x3FBB];
	_ =	sdelay $0x3  }
0x37: {  	[smem:$0x3FBB] =	sst s10  }
0x38: {  	s10 =	sld [smem:$0x3FBC]  }
0x39: {  	_ = 	snop;
	(pc) =	sbr.ind lr, $3  }
0x3a: {  	_ = 	snop  }
0x3b: {  	_ = 	snop  }
0x3c: {  	p2 =	seq.s32 s10, $0x1;
	s10 =	sld [smem:$0x3FBB]  }
0x3d: {  	_ =	shalt  }
0x3e: {  	_ =	shalt  }
0x3f: {  	_ =	shalt  }
0x40: {  	_ =	shalt  }
0x41: {  	_ =	shalt  }
0x42: {  	_ =	shalt  }
0x43: {  	_ =	shalt  }
0x44: {  	_ =	shalt  }
0x45: {  	_ =	shalt  }
0x46: {  	_ =	shalt  }
0x47: {  	_ =	shalt  }
0x48: {  	_ =	shalt  }
0x49: {  	_ =	shalt  }
0x4a: {  	_ =	shalt  }
0x4b: {  	_ =	shalt  }
0x4c: {  	_ =	shalt  }
0x4d: {  	_ =	shalt  }
0x4e: {  	_ =	shalt  }
0x4f: {  	_ =	shalt  }
0x50: {  	_ =	shalt  }
0x51: {  	_ =	shalt  }
0x52: {  	_ =	shalt  }
0x53: {  	_ =	shalt  }
0x54: {  	_ =	shalt  }
0x55: {  	_ =	shalt  }
0x56: {  	_ =	shalt  }
0x57: {  	_ =	shalt  }
0x58: {  	_ =	shalt  }
0x59: {  	_ =	shalt  }
0x5a: {  	_ =	shalt  }
0x5b: {  	_ =	shalt  }
0x5c: {  	_ =	shalt  }
0x5d: {  	_ =	shalt  }
0x5e: {  	_ =	shalt  }
0x5f: {  	_ =	shalt  }
0x60: {  	_ =	shalt  }
0x61: {  	_ =	shalt  }
0x62: {  	_ =	shalt  }
0x63: {  	_ =	shalt  }
0x64: {  	_ =	shalt  }
0x65: {  	_ =	shalt  }
0x66: {  	_ =	shalt  }
0x67: {  	_ =	shalt  }
0x68: {  	_ =	shalt  }
0x69: {  	_ =	shalt  }
0x6a: {  	_ =	shalt  }
0x6b: {  	_ =	shalt  }
0x6c: {  	_ =	shalt  }
0x6d: {  	_ =	shalt  }
0x6e: {  	_ =	shalt  }
0x6f: {  	_ =	shalt  }
0x70: {  	_ =	shalt  }
0x71: {  	_ =	shalt  }
0x72: {  	_ =	shalt  }
0x73: {  	_ =	shalt  }
0x74: {  	_ =	shalt  }
0x75: {  	_ =	shalt  }
0x76: {  	_ =	shalt  }
0x77: {  	_ =	shalt  }
0x78: {  	_ =	shalt  }
0x79: {  	_ =	shalt  }
0x7a: {  	_ =	shalt  }
0x7b: {  	_ =	shalt  }
0x7c: {  	_ =	shalt  }
0x7d: {  	_ =	shalt  }
0x7e: {  	_ =	shalt  }
0x7f: {  	_ =	shalt  }
0x80: {  	_ =	shalt  }
0x81: {  	_ =	shalt  }
0x82: {  	_ =	shalt  }
0x83: {  	_ =	shalt  }
0x84: {  	_ =	shalt  }
0x85: {  	_ =	shalt  }
0x86: {  	_ =	shalt  }
0x87: {  	_ =	shalt  }
.Lfunc_end0:
.L_simem_size_0:
called_computation_lowered:
.L_overlay_start_0:
0x88: {  	s2 =	sld [smem:$0x3FD9]  }
0x89: {  	s3 =	sld [smem:$0x3FFE];
	_ =	sdelay $0x1  }
0x8a: {  	s1 =	srdreg.scid  }
0x8b: {  	s0 =	sand.u32 $0x1, s1  }
0x8c: {  	s16 =	sshll.u32 s0, $0xA;
	s2 =	sadd.s32 s3, s2  }
0x8d: {  	s2 =	sadd.s32 s2, s16  }
0x8e: {  	[smem:$0x3FC7] =	sst s2  }
0x8f: {  	_ = 	snop  }
0x90: {  	(tm) =	ssettm $0x1  }
0x91: {  	s17 =	sld [smem:$0x3FFB];
	_ =	sdelay $0x3  }
0x92: {  	_ =	strace s17  }
0x93: {  	s2 =	sld [smem:$0x3FFC];
	_ =	sdelay $0x3  }
0x94: {  	_ =	strace s2  }
0x95: {  	s2 =	sld [smem:$0x3FFD];
	_ =	sdelay $0x3  }
0x96: {  	_ =	strace s2  }
0x97: {  	_ =	strace $0x8FFFFFFF  }
0x98: {  	s18 =	sld [smem:$0x3FDB];
	_ =	sdelay $0x1  }
0x99: {  	s19 =	simm.s32 $_scs_section_size  }
0x9a: {  	s4 =	simm.s32 $_size__tile_overlayer_lowered;
	s5 =	simm.s32 $_tile_overlayer_lowered  }
0x9b: {  	s22 =	simm.s32 $0x1BFF;
	s21 =	sshll.u32 s5, $0x1;
	s2 =	sadd.s32 s19, s18  }
0x9c: {  	s6 =	simm.s32 $0x0;
	s20 =	sshll.u32 s4, $0x1;
	s4 =	sadd.s32 s21, s2  }
0x9d: {  	[timem:s6], [sflag:s22] =	dma.local [hbm:s4], s20  }
0x9e: {  	_ =	swait.ge [sflag:s22], s20  }
0x9f: {  	s3 =	ssub.s32 $0x0, s20;
	[sflag:s22] =	ssyncset.done $0x0  }
0xa0: {  	[sflag:s22] =	ssyncadd.s32 s3;
	_ =	sdelay $0x1  }
0xa1: {  	s23 =	simm.s32 $0x1B8B  }
0xa2: {  	_ =	swait.ge [sflag:s23], $0x1  }
0xa3: {  	[sflag:s23] =	ssyncset.done $0x0  }
0xa4: {  	s25 =	simm.s32 $0x1B8E;
	s24 =	sld [smem:$0x3FFE];
	[sflag:s23] =	ssyncadd.s32 $0xFFFFFFFF  }
0xa5: {  	s26 =	simm.s32 $execute0_lowered;
	[smem:$0x3FD2] =	sst s25  }
0xa6: {  	s4 =	sshll.u32 s26, $0x1;
	_ =	strace $0x80000046;
	[dreg:$0x1] =	wrdreg $0xFFFFFFFF  }
0xa7: {  	s28 =	simm.s32 $_size_execute0_lowered;
	s2 =	sadd.s32 s2, s4;
	[dreg:$0x0] =	wrdreg $0x0  }
0xa8: {  	s4 =	sshll.u32 s28, $0x1;
	[dreg:$0x2] =	wrdreg s2  }
0xa9: {  	[dreg:$0x3] =	wrdreg s4  }
0xaa: {  	[dreg:$0x4] =	wrdreg $0xC0  }
0xab: {  	_ =	task [dreg:s6], $0x5FFFF  }
0xac: {  	[dreg:$0x1] =	wrdreg $0xFFFFFFFF  }
0xad: {  	[dreg:$0x0] =	wrdreg $0x60  }
0xae: {  	[dreg:$0x2] =	wrdreg s24  }
0xaf: {  	[dreg:$0x3] =	wrdreg $0x9  }
0xb0: {  	_ =	task.clear_ibuf [dreg:s6], $0x4FFFF;
	_ =	strace $0x90000046  }
0xb1: {  	s29 =	simm.s32 $0x9;
	_ =	strace $0x80000048  }
0xb2: {  	_ =	swait.ge [sflag:s29], $0x1  }
0xb3: {  	[sflag:s29] =	ssyncadd.s32 $0xFFFFFFFF  }
0xb4: {  	_ =	strace $0x90000048  }
0xb5: {  	_ =	sfence  }
0xb6: {  	s30 =	sld [smem:$0x0];
	_ =	sdelay $0x2  }
0xb7: {  	s31 =	sshll.u32 s1, $0xD;
	s1 =	sshrl.u32 s1, $0x2  }
0xb8: {  	s3 =	sand.u32 $0x4000, s31;
	s1 =	sadd.s32 s1, s30  }
0xb9: {  	s0 =	sor.u32 s3, s0;
	s1 =	sshll.u32 s1, $0x11  }
0xba: {  	s0 =	sor.u32 s1, s0  }
0xbb: {  	s0 =	sadd.s32 $0x8F2B, s0  }
0xbc: {  	[sflag:s0] =	ssyncadd.remote.s32 $0x1  }
0xbd: {  	_ =	sfence.sel $0xFFFF  }
0xbe: {  	[dreg:$0x0] =	wrdreg $0xFFFFFFFF;
	(pc) =	sbr.abs _section_cstart, $3  }
0xbf: {  	[dreg:$0x1] =	wrdreg $0xFFFFFFFF  }
0xc0: {  	_ =	task.clear_ibuf [dreg:s6], $0x2FFFF;
	_ =	strace $0x9FFFFFFF  }
0xc1: {  	(tm) =	ssettm $0x7FFFFFFF  }
tec
execute0_lowered:
.L_overlay_start_1:
0x0: {  	(tag) =	ssettag $0x1  }
0x1: {  	s4 =	rddreg [dreg:$0x0]  }
0x2: {  	s0 =	rddreg [dreg:$0x1];
	s1 =	simm.s32 $0x0;
	s2 =	srdreg.scid  }
0x3: {  	s11 =	simm.s32 $0x80;
	s12 =	simm.s32 $0x400;
	s13 =	simm.s32 $0x1  }
0x4: {  	s14 =	simm.s32 $0x4000;
	s15 =	simm.s32 $0xA000;
	s16 =	simm.s32 $0x0  }
0x5: {  	[smem:$0x7FF] =	sst s1;
	s7 =	sand.u32 $0x1, s2;
	s2 =	sadd.s32 $0x19800, s4  }
0x6: {  	v0 =	vlaneseq.u32;
	s3 =	sadd.s32 $0x339800, s4;
	s5 =	sadd.s32 $0x359800, s4;
	s8 =	ssub.s32 $0x2, s7  }
0x7: {  	s6 =	sadd.s32 $0x3B9800, s4;
	s4 =	stileid.u32;
	v0 =	vmul.u32 $0x3, v0;
	s9 =	sshrl.u32 s8, $0x1  }
0x8: {  	_ =	strace $0x80000047;
	s7 =	sshll.u32 s7, $0x9;
	s10 =	ssub.s32 s8, s9  }
0x9: {  	v1 =	vadd.s32 $0x1, v0;
	v2 =	vadd.s32 $0x2, v0;
	s8 =	sshll.u32 s4, $0x10;
	s9 =	smul.u32 $0x30000, s4;
	s10 =	smax.u32 s10, $0x1  }
.LBB2_1:
0xa: {  	s17 =	simm.s32 $0x0  }
.LBB2_2:
0xb: {  	s18 =	sshll.u32 s17, $0x7  }
0xc: {  	s18 =	sadd.s32 s7, s18  }
0xd: {  	s19 =	sadd.s32 s8, s18  }
0xe: {  	s19 =	sshrl.u32 s19, $0x3  }
0xf: {  	s21 =	simm.s32 $0x0;
	s20 =	sadd.s32 s2, s19  }
0x10: {  	[tilespmem:s21], [sflag:$0x1] =	stream.strided.gather [hbm4b:s20+s11], $0x2000, s12, s11, $0x38;
	[tilespmem:$0x10000] =	vst v63  }
0x11: {  	_ =	swait.ge [sflag:s13], $0x2000  }
0x12: {  	[sflag:s13] =	ssyncset.done $0x0  }
0x13: {  	s31 =	sadd.s32 s3, s19;
	s19 =	simm.s32 $0x2000;
	[sflag:s13] =	ssyncadd.s32 $0xFFFFE000  }
0x14: {  	[tilespmem:s19], [sflag:$0x1] =	stream.strided.gather [hbm4b:s31+s11], $0x2000, s12, s11, $0x38;
	[tilespmem:$0x10000] =	vst v63  }
0x15: {  	_ =	swait.ge [sflag:s13], $0x2000  }
0x16: {  	[sflag:s13] =	ssyncset.done $0x0  }
0x17: {  	[sflag:s13] =	ssyncadd.s32 $0xFFFFE000  }
0x18: {  	v3 =	vld [tilespmem:s19+$0x0];
	_ =	sdelay $0x4  }
0x19: {  	v4 =	vshll.u32 v3, $0x3;
	_ =	sdelay $0x4  }
0x1a: {  	v5 =	vadd.s32 s21, v0;
	v3 =	vld.idx.msk [tilespmem:v4+s1+$0x0], $0xffff  }
0x1b: {  	v6 =	vor.u32 $0x3, v4;
	_ =	sdelay $0x3  }
0x1c: {  	[tilespmem:v5+s14+$0x0] =	vst.idx.msk $0xffff, v3  }
0x1d: {  	v3 =	vld.idx.msk [tilespmem:v6+s1+$0x0], $0xffff  }
0x1e: {  	v6 =	vor.u32 $0x1, v4;
	_ =	sdelay $0x3  }
0x1f: {  	[tilespmem:v5+s15+$0x0] =	vst.idx.msk $0xffff, v3  }
0x20: {  	v5 =	vadd.s32 s21, v1;
	v3 =	vld.idx.msk [tilespmem:v6+s1+$0x0], $0xffff  }
0x21: {  	v6 =	vor.u32 $0x4, v4;
	_ =	sdelay $0x3  }
0x22: {  	[tilespmem:v5+s14+$0x0] =	vst.idx.msk $0xffff, v3  }
0x23: {  	v3 =	vld.idx.msk [tilespmem:v6+s1+$0x0], $0xffff  }
0x24: {  	v6 =	vor.u32 $0x2, v4;
	_ =	sdelay $0x3  }
0x25: {  	[tilespmem:v5+s15+$0x0] =	vst.idx.msk $0xffff, v3  }
0x26: {  	v3 =	vadd.s32 s21, v2;
	v5 =	vld.idx.msk [tilespmem:v6+s1+$0x0], $0xffff  }
0x27: {  	v4 =	vor.u32 $0x5, v4;
	_ =	sdelay $0x3  }
0x28: {  	[tilespmem:v3+s14+$0x0] =	vst.idx.msk $0xffff, v5  }
0x29: {  	s20 =	simm.s32 $0x30;
	v4 =	vld.idx.msk [tilespmem:v4+s1+$0x0], $0xffff  }
.LBB2_3:
0x2a: {  	_ =	sdelay $0x2  }
0x2b: {  	p0 =	sne.s32 s20, $0x5FD0  }
0x2c: {  	s19 =	sadd.s32 $0x10, s19;
	s21 =	smov.u32 s20;
	s20 =	sadd.s32 $0x30, s20;
	[tilespmem:v3+s15+$0x0] =	vst.idx.msk $0xffff, v4  }
0x2d: {  	v3 =	vld [tilespmem:s19+$0x0];
	_ =	sdelay $0x4  }
0x2e: {  	v4 =	vshll.u32 v3, $0x3;
	_ =	sdelay $0x4  }
0x2f: {  	v3 =	vld.idx.msk [tilespmem:v4+s1+$0x0], $0xffff  }
0x30: {  	v5 =	vadd.s32 s21, v0  }
0x31: {  	v6 =	vor.u32 $0x3, v4;
	_ =	sdelay $0x3  }
0x32: {  	[tilespmem:v5+s14+$0x0] =	vst.idx.msk $0xffff, v3  }
0x33: {  	v3 =	vld.idx.msk [tilespmem:v6+s1+$0x0], $0xffff;
	_ =	sdelay $0x1  }
0x34: {  	v6 =	vor.u32 $0x1, v4;
	_ =	sdelay $0x3  }
0x35: {  	[tilespmem:v5+s15+$0x0] =	vst.idx.msk $0xffff, v3  }
0x36: {  	v3 =	vld.idx.msk [tilespmem:v6+s1+$0x0], $0xffff  }
0x37: {  	v5 =	vadd.s32 s21, v1  }
0x38: {  	v6 =	vor.u32 $0x4, v4;
	_ =	sdelay $0x3  }
0x39: {  	[tilespmem:v5+s14+$0x0] =	vst.idx.msk $0xffff, v3  }
0x3a: {  	v3 =	vld.idx.msk [tilespmem:v6+s1+$0x0], $0xffff;
	_ =	sdelay $0x1  }
0x3b: {  	v6 =	vor.u32 $0x2, v4;
	_ =	sdelay $0x3  }
0x3c: {  	[tilespmem:v5+s15+$0x0] =	vst.idx.msk $0xffff, v3  }
0x3d: {  	v5 =	vld.idx.msk [tilespmem:v6+s1+$0x0], $0xffff  }
0x3e: {  	v3 =	vadd.s32 s21, v2  }
0x3f: {  	v4 =	vor.u32 $0x5, v4  }
.Ltmp0:
0x40: {  	(pc) =	sbr.rel @p0 .LBB2_3-.Ltmp0, $3  }
0x41: {  	_ =	sdelay $0x1  }
0x42: {  	[tilespmem:v3+s14+$0x0] =	vst.idx.msk $0xffff, v5  }
0x43: {  	v4 =	vld.idx.msk [tilespmem:v4+s1+$0x0], $0xffff  }
0x44: {  	_ =	sdelay $0x1  }
0x45: {  	s18 =	sadd.s32 s9, s18  }
0x46: {  	s18 =	sshrl.u32 s18, $0x3  }
0x47: {  	s19 =	sadd.s32 s5, s18;
	[tilespmem:v3+s15+$0x0] =	vst.idx.msk $0xffff, v4  }
0x48: {  	[hbm4b:s19+s11] =	stream.strided.scatter [tilespmem:s14], [sflag:$0x1], $0x6000, s12, s11, $0x38;
	[tilespmem:$0x10000] =	vst v63  }
0x49: {  	s17 =	sadd.s32 $0x1, s17;
	_ =	swait.ge [sflag:s13], $0x6000  }
0x4a: {  	p0 =	sne.s32 s17, $0x4;
	[sflag:s13] =	ssyncset.done $0x0  }
.Ltmp1:
0x4b: {  	s18 =	sadd.s32 s6, s18;
	[sflag:s13] =	ssyncadd.s32 $0xFFFFA000;
	(pc) =	sbr.rel @p0 .LBB2_2-.Ltmp1, $4  }
0x4c: {  	[hbm4b:s18+s11] =	stream.strided.scatter [tilespmem:s15], [sflag:$0x1], $0x6000, s12, s11, $0x38;
	[tilespmem:$0x10000] =	vst v63  }
0x4d: {  	_ =	swait.ge [sflag:s13], $0x6000  }
0x4e: {  	[sflag:s13] =	ssyncset.done $0x0  }
0x4f: {  	[sflag:s13] =	ssyncadd.s32 $0xFFFFA000  }
0x50: {  	s16 =	sadd.s32 $0x1, s16  }
0x51: {  	p0 =	sne.s32 s16, s10  }
.Ltmp2:
0x52: {  	_ = 	snop;
	(pc) =	sbr.rel @p0 .LBB2_1-.Ltmp2, $1  }
0x53: {  	_ =	sdelay $0x3  }
0x54: {  	_ =	sfence.sel $0x180000  }
0x55: {  	[bflag:$0x0] =	sbarrier.arrive $0xFFFF  }
0x56: {  	p0 =	sne.s32 s4, $0x0;
	_ =	strace $0x90000047  }
0x57: {  	s0 =	sadd.s32 @!p0 $0x100000, s0;
	[bflag:$0x2] =	sbarrier.arrive $0xFFFF  }
0x58: {  	[sflag:s0] =	ssyncadd.tile.s32 @!p0 $0x1;
	_ =	shalt  }
.Lfunc_end2:
_tile_overlayer_lowered:
.L_overlay_start_2:
0x59: {  	(tag) =	ssettag $0x2  }
0x5a: {  	s0 =	rddreg [dreg:$0x0];
	s2 =	stileid.u32  }
0x5b: {  	s1 =	rddreg [dreg:$0x1];
	p0 =	sne.s32 s2, $0x0  }
0x5c: {  	s3 =	rddreg [dreg:$0x2];
	[bflag:$0x3] =	sbarrier.arrive $0xFFFF;
	s2 =	simm.s32 @!p0 $0x1C01  }
0x5d: {  	[timem:s3], [sflag:s2] =	dma.local @!p0 [hbm:s0], s1  }
0x5e: {  	s0 =	simm.s32 @!p0 $0x1  }
0x5f: {  	_ =	swait.ge @!p0 [sflag:s0], s1  }
0x60: {  	s1 =	ssub.s32 @!p0 $0x0, s1;
	[sflag:s0] =	ssyncset.done @!p0 $0x0  }
0x61: {  	[sflag:s0] =	ssyncadd.s32 @!p0 s1  }
0x62: {  	[bflag:$0x3] =	sbarrier.arrive $0xFFFF  }
0x63: {  	_ =	shalt  }

</sc_bundles>
